<compile_context>
chip_gen: v7x
topology: tpu7x:2x2x1
jax: 0.10.2.dev20260603
libtpu: 0.0.44.dev20260713+nightly
codegen_flags: <defaults>
</compile_context>

<pallas_src>
import functools

import jax
import jax.numpy as jnp
from jax import lax
from jax.experimental import pallas as pl
from jax.experimental.pallas import tpu as pltpu
from jax.experimental.pallas import tpu_sc as plsc

NC = 2
NS = 16
L = 16
NW = NC * NS

CHUNK = 128
N_PAD = 10112
ROWS_PER_TILE = N_PAD // NS



C0_FRAC = 0.60
N_PHASES = 2
PHASE_H = 48


def _make_agg_kernel(c0, c1, n, d):
    mesh = plsc.VectorSubcoreMesh(core_axis_name="c", subcore_axis_name="s")
    last_rows = n - (NS - 1) * ROWS_PER_TILE
    assert 0 < last_rows <= ROWS_PER_TILE and last_rows % 8 == 0

    def body(x_hbm, src_hbm, dst_hbm, out_hbm, idx_src, idx_dst,
             rows0, rows1, agg_sh, gsem0, gsem1, ssem0, ssem1):
        rows = [rows0, rows1]
        gsems = [gsem0, gsem1]
        ssems = [ssem0, ssem1]
        cid = lax.axis_index("c")
        sid = lax.axis_index("s")
        wid = cid * NS + sid
        nch = jnp.where(cid == 0, c0, c1)

        z = jnp.zeros((L,), jnp.float32)

        def zr(i, carry):
            def zc(j, c2):
                rows0[i, pl.ds(j * L, L)] = z
                return c2
            return lax.fori_loop(0, d // L, zc, carry)

        lax.fori_loop(0, CHUNK, zr, 0)

        base = sid * ROWS_PER_TILE
        nfull = ROWS_PER_TILE // CHUNK
        rem = ROWS_PER_TILE - nfull * CHUNK
        for k in range(nfull):
            pltpu.sync_copy(rows0, agg_sh.at[pl.ds(base + k * CHUNK, CHUNK)])
        if rem:
            pltpu.sync_copy(rows0.at[pl.ds(0, rem)],
                            agg_sh.at[pl.ds(base + nfull * CHUNK, rem)])

        plsc.subcore_barrier()

        for p in range(N_PHASES):
            pc_p = jnp.clip(nch - p * PHASE_H, 0, PHASE_H)

            pltpu.sync_copy(
                src_hbm.at[wid].at[pl.ds(p * PHASE_H, PHASE_H)], idx_src)
            pltpu.sync_copy(
                dst_hbm.at[wid].at[pl.ds(p * PHASE_H, PHASE_H)], idx_dst)

            @pl.when(pc_p > 0)
            def _prime(p=p):
                pltpu.async_copy(x_hbm.at[idx_src.at[0]], rows0, gsem0)

            def pair(g, carry):
                for b in range(2):
                    j = g * 2 + b
                    pltpu.make_async_copy(x_hbm.at[pl.ds(0, CHUNK)],
                                          rows[b], gsems[b]).wait()
                    pltpu.async_copy(rows[b], agg_sh.at[idx_dst.at[j]],
                                     ssems[b], add=True)
                    if b == 1:
                        pltpu.make_async_copy(
                            rows[0], agg_sh.at[pl.ds(0, CHUNK)],
                            ssems[0]).wait()

                        @pl.when(g + 1 < pc_p // 2)
                        def _refill(j=j):
                            pltpu.async_copy(x_hbm.at[idx_src.at[j + 1]],
                                             rows[0], gsems[0])
                    else:
                        @pl.when(g >= 1)
                        def _wait_s(b=b):
                            pltpu.make_async_copy(
                                rows[1], agg_sh.at[pl.ds(0, CHUNK)],
                                ssems[1]).wait()
                        pltpu.async_copy(x_hbm.at[idx_src.at[j + 1]],
                                         rows[1], gsems[1])
                return carry

            lax.fori_loop(0, pc_p // 2, pair, 0)

            @pl.when(pc_p > 0)
            def _drain():
                pltpu.make_async_copy(rows[1], agg_sh.at[pl.ds(0, CHUNK)],
                                      ssems[1]).wait()

        plsc.subcore_barrier()

        @pl.when(sid == NS - 1)
        def _copy_last():
            pltpu.sync_copy(agg_sh.at[pl.ds(base, last_rows)],
                            out_hbm.at[cid].at[pl.ds(base, last_rows)])

        @pl.when(sid != NS - 1)
        def _copy_full():
            pltpu.sync_copy(agg_sh.at[pl.ds(base, ROWS_PER_TILE)],
                            out_hbm.at[cid].at[pl.ds(base, ROWS_PER_TILE)])

    return pl.kernel(
        body,
        out_type=jax.ShapeDtypeStruct((NC, n, d), jnp.float32),
        mesh=mesh,
        scratch_types=[
            pltpu.VMEM((PHASE_H, CHUNK), jnp.int32),
            pltpu.VMEM((PHASE_H, CHUNK), jnp.int32),
            pltpu.VMEM((CHUNK, d), jnp.float32),
            pltpu.VMEM((CHUNK, d), jnp.float32),
            pltpu.VMEM_SHARED((N_PAD, d), jnp.float32),
            pltpu.SemaphoreType.DMA,
            pltpu.SemaphoreType.DMA,
            pltpu.SemaphoreType.DMA,
            pltpu.SemaphoreType.DMA,
        ],
    )



def _ln(h, g, b, eps=1e-5):
    mean = jnp.mean(h, axis=-1, keepdims=True)
    c = h - mean
    var = jnp.mean(c * c, axis=-1, keepdims=True)
    return c * lax.rsqrt(var + eps) * g + b


def _mlp_body(scale_ref, x_ref, a0_ref, a1_ref, W1_ref, b1_ref, g1_ref,
              be1_ref, W2_ref, b2_ref, g2_ref, be2_ref, W3_ref, b3_ref,
              gb_ref, bb_ref, y_ref):
    x = x_ref[...]
    out = scale_ref[0] * x + a0_ref[0] + a1_ref[0]
    h = jnp.dot(out, W1_ref[...], preferred_element_type=jnp.float32)
    h = _ln(h + b1_ref[...], g1_ref[...], be1_ref[...])
    h = jnp.maximum(h, 0.0)
    h = jnp.dot(h, W2_ref[...], preferred_element_type=jnp.float32)
    h = _ln(h + b2_ref[...], g2_ref[...], be2_ref[...])
    h = jnp.maximum(h, 0.0)
    h = jnp.dot(h, W3_ref[...], preferred_element_type=jnp.float32)
    y = _ln(x + h + b3_ref[...], gb_ref[...], bb_ref[...])
    y_ref[...] = jnp.maximum(y, 0.0)


def _mlp_call(scale, x, partials, W1, b1, g1, be1, W2, b2, g2, be2, W3, b3,
              gb, bb, row_blk):
    n, d = x.shape
    h = W1.shape[1]
    grid = (n // row_blk,)
    rows = pl.BlockSpec((row_blk, d), lambda i: (i, 0))
    part0 = pl.BlockSpec((1, row_blk, d), lambda i: (0, i, 0))
    part1 = pl.BlockSpec((1, row_blk, d), lambda i: (1, i, 0))
    full = lambda r, c: pl.BlockSpec((r, c), lambda i: (0, 0))
    return pl.pallas_call(
        _mlp_body,
        grid=grid,
        in_specs=[
            pl.BlockSpec(memory_space=pltpu.SMEM),
            rows, part0, part1,
            full(d, h), full(1, h), full(1, h), full(1, h),
            full(h, h), full(1, h), full(1, h), full(1, h),
            full(h, d), full(1, d), full(1, d), full(1, d),
        ],
        out_specs=rows,
        out_shape=jax.ShapeDtypeStruct((n, d), jnp.float32),
    )(scale, x, partials, partials, W1, b1, g1, be1, W2, b2, g2, be2, W3,
      b3, gb, bb)



def kernel(x, edge_index, W1, b1, ln1_g, ln1_b, W2, b2, ln2_g, ln2_b, W3, b3,
           eps, blk_g, blk_b):
    n, d = x.shape
    e = edge_index.shape[1]
    tot = -(-e // (NS * CHUNK))
    c0 = int(round(tot * C0_FRAC / 2)) * 2
    c1 = -(-(tot - c0) // 2) * 2
    cstage = N_PHASES * PHASE_H
    assert 0 < c0 <= cstage and 0 < c1 <= cstage
    e_pad = NS * (c0 + c1) * CHUNK
    src = edge_index[0]
    dst = edge_index[1]
    if e_pad > e:
        pad = e_pad - e
        src = jnp.concatenate([src, jnp.zeros((pad,), jnp.int32)])
        dst = jnp.concatenate([dst, jnp.full((pad,), n, jnp.int32)])

    def split(v):
        ec0 = NS * c0 * CHUNK
        p0 = v[:ec0].reshape(NS, c0, CHUNK)
        p1 = v[ec0:].reshape(NS, c1, CHUNK)
        p0 = jnp.pad(p0, ((0, 0), (0, cstage - c0), (0, 0)))
        p1 = jnp.pad(p1, ((0, 0), (0, cstage - c1), (0, 0)))
        return jnp.concatenate([p0, p1], axis=0)

    partials = _make_agg_kernel(c0, c1, n, d)(x, split(src), split(dst))

    scale = jnp.reshape(2.0 + eps, (1,))
    r2 = lambda v: v.reshape(1, -1)
    return _mlp_call(scale, x, partials, W1, r2(b1), r2(ln1_g), r2(ln1_b),
                     W2, r2(b2), r2(ln2_g), r2(ln2_b), W3, r2(b3),
                     r2(blk_g), r2(blk_b), row_blk=2000)

# --- scband reference (transcript-rebuilt; emitter-appended) ---
"""Pipeline reference for scband-ginblock-82987358093447 (READ-ONLY COPY).

The authoritative reference and input builder live on the scoring server;
editing this copy changes nothing except your own understanding.
"""

import jax, jax.numpy as jnp
import numpy as np

N_NODES = 10000
D_IN = 128
H = 64
D_OUT = 128
N_EDGES = 320000

def _layernorm(h, g, b, eps=1e-5):
    mean = jnp.mean(h, axis=-1, keepdims=True)
    var = jnp.var(h, axis=-1, keepdims=True)
    return (h - mean) / jnp.sqrt(var + eps) * g + b

def setup_inputs(seed: int = 0) -> dict:
    key = jax.random.key(seed)
    ks = jax.random.split(key, 8)
    x = jax.random.normal(ks[0], (N_NODES, D_IN), dtype=jnp.float32)
    edge_index = jax.random.randint(ks[1], (2, N_EDGES), 0, N_NODES, dtype=jnp.int64 if jax.config.jax_enable_x64 else jnp.int32).astype(jnp.int32)
    def kaiming(k, fan_in, shape):
        bound = 1.0 / np.sqrt(fan_in)
        return jax.random.uniform(k, shape, minval=-bound, maxval=bound, dtype=jnp.float32)
    W1 = kaiming(ks[2], D_IN, (D_IN, H))
    b1 = jnp.zeros((H,), jnp.float32)
    ln1_g = jnp.ones((H,), jnp.float32); ln1_b = jnp.zeros((H,), jnp.float32)
    W2 = kaiming(ks[3], H, (H, H))
    b2 = jnp.zeros((H,), jnp.float32)
    ln2_g = jnp.ones((H,), jnp.float32); ln2_b = jnp.zeros((H,), jnp.float32)
    W3 = kaiming(ks[4], H, (H, D_OUT))
    b3 = jnp.zeros((D_OUT,), jnp.float32)
    eps = jnp.array(0.0, jnp.float32)
    blk_g = jnp.ones((D_OUT,), jnp.float32); blk_b = jnp.zeros((D_OUT,), jnp.float32)
    return {"x": x, "edge_index": edge_index, "W1": W1, "b1": b1, "ln1_g": ln1_g, "ln1_b": ln1_b,
            "W2": W2, "b2": b2, "ln2_g": ln2_g, "ln2_b": ln2_b, "W3": W3, "b3": b3,
            "eps": eps, "blk_g": blk_g, "blk_b": blk_b}

def reference(x, edge_index, W1, b1, ln1_g, ln1_b, W2, b2, ln2_g, ln2_b, W3, b3, eps, blk_g, blk_b):
    N = x.shape[0]
    # add self loops
    loops = jnp.arange(N, dtype=edge_index.dtype)
    ei = jnp.concatenate([edge_index, jnp.stack([loops, loops], axis=0)], axis=1)
    src, dst = ei[0], ei[1]
    # message = gather source node features
    msg = jnp.take(x, src, axis=0)
    # scatter-add aggregation by destination
    agg = jnp.zeros_like(x).at[dst].add(msg)
    out = (1.0 + eps) * x + agg
    # MLP: Linear -> LN -> ReLU -> Linear -> LN -> ReLU -> Linear
    h = out @ W1 + b1
    h = _layernorm(h, ln1_g, ln1_b)
    h = jax.nn.relu(h)
    h = h @ W2 + b2
    h = _layernorm(h, ln2_g, ln2_b)
    h = jax.nn.relu(h)
    h = h @ W3 + b3
    # residual + block norm + block act (dropout=0)
    y = x + h
    y = _layernorm(y, blk_g, blk_b)
    y = jax.nn.relu(y)
    return y

if __name__ == "__main__":
    import jax
    _d = setup_inputs()
    print(jax.jit(kernel)(*tuple(_d.values())))

</pallas_src>

<mosaic_0001>
#map = affine_map<(d0, d1) -> (0, 0)>
#map1 = affine_map<(d0, d1) -> (0, 0, 0)>
module attributes {stable_mosaic.version = 14 : i64} {
  func.func @body(%arg0: i32, %arg1: i32, %arg2: memref<10000x128xf32, #tpu.memory_space<hbm>>, %arg3: memref<32x96x128xi32, #tpu.memory_space<hbm>>, %arg4: memref<32x96x128xi32, #tpu.memory_space<hbm>>, %arg5: memref<2x10000x128xf32, #tpu.memory_space<hbm>>, %arg6: memref<48x128xi32, #tpu.memory_space<vmem>>, %arg7: memref<48x128xi32, #tpu.memory_space<vmem>>, %arg8: memref<128x128xf32, #tpu.memory_space<vmem>>, %arg9: memref<128x128xf32, #tpu.memory_space<vmem>>, %arg10: memref<10112x128xf32, #tpu.memory_space<vmem_shared>>, %arg11: memref<!tpu.dma_semaphore, #tpu.memory_space<semaphore_mem>>, %arg12: memref<!tpu.dma_semaphore, #tpu.memory_space<semaphore_mem>>, %arg13: memref<!tpu.dma_semaphore, #tpu.memory_space<semaphore_mem>>, %arg14: memref<!tpu.dma_semaphore, #tpu.memory_space<semaphore_mem>>) attributes {dimension_semantics = [#tpu.dimension_semantics<core_parallel>, #tpu.dimension_semantics<subcore_parallel>], iteration_bounds = array<i64: 2, 16>, scalar_prefetch = 0 : i64, scratch_operands = 9 : i64, tpu.core_type = #tpu.core_type<sc_vector_subcore>, window_params = [{transform_indices = #map}, {transform_indices = #map1}, {transform_indices = #map1}, {transform_indices = #map1}]} {
    %mul3A = arith.constant 16 : i32
    %mul3A_0 = arith.muli %arg0, %mul3A : i32
    %add3A = arith.addi %mul3A_0, %arg1 : i32
    %eq3A = arith.constant 0 : i32
    %eq3A_1 = arith.cmpi eq, %arg0, %eq3A : i32
    %jit3A = arith.constant 94 : i32
    %jit3A_2 = arith.constant 64 : i32
    %select_n3A = arith.select %eq3A_1, %jit3A, %jit3A_2 : i32
    %broadcast_in_dim3A = arith.constant 0.000000e+00 : f32
    %broadcast_in_dim3A_3 = vector.broadcast %broadcast_in_dim3A : f32 to vector<16xf32>
    %scan3A = arith.constant 0 : i32
    %scan3A_4 = arith.constant 0 : i32
    %scan3A_5 = arith.constant 128 : i32
    %scan3A_6 = arith.addi %scan3A_4, %scan3A_5 : i32
    %scan3A_7 = arith.constant 1 : i32
    scf.for %scan3A_120 = %scan3A_4 to %scan3A_6 step %scan3A_7  : i32 {
      %scan3A_121 = arith.constant 0 : i32
      %scan3A_122 = arith.constant 8 : i32
      %scan3A_123 = arith.addi %scan3A_121, %scan3A_122 : i32
      %scan3A_124 = arith.constant 1 : i32
      scf.for %scan3A_126 = %scan3A_121 to %scan3A_123 step %scan3A_124  : i32 {
        %mul3A_127 = arith.constant 16 : i32
        %mul3A_128 = arith.muli %scan3A_126, %mul3A_127 : i32
        %swap3A = arith.index_cast %scan3A_120 : i32 to index
        %swap3A_129 = arith.index_cast %mul3A_128 : i32 to index
        %swap3A_130 = tpu.vector_load %arg8[%swap3A, %swap3A_129] {strides = array<i32>} : memref<128x128xf32, #tpu.memory_space<vmem>>, vector<1x16xf32>,
        %swap3A_131 = vector.shape_cast %swap3A_130 : vector<1x16xf32> to vector<16xf32>
        %swap3A_132 = vector.shape_cast %broadcast_in_dim3A_3 : vector<16xf32> to vector<1x16xf32>
        tpu.vector_store %arg8[%swap3A, %swap3A_129], %swap3A_132 {strides = array<i32>} : memref<128x128xf32, #tpu.memory_space<vmem>>, vector<1x16xf32>,
      }
      %scan3A_125 = arith.constant 8 : i32
    }
    %scan3A_8 = arith.constant 128 : i32
    %mul3A_9 = arith.constant 632 : i32
    %mul3A_10 = arith.muli %arg1, %mul3A_9 : i32
    %add3A_11 = arith.constant 0 : i32
    %add3A_12 = arith.addi %mul3A_10, %add3A_11 : i32
    "tpu.region"() ({
      %run_scoped3A = tpu.sem_alloc : memref<!tpu.dma_semaphore, #tpu.memory_space<semaphore_mem>>
      %dma_start3A = arith.constant 0 : i32
      %dma_start3A_120 = tpu.memref_slice %arg10[%add3A_12, %dma_start3A] : memref<10112x128xf32, #tpu.memory_space<vmem_shared>> -> memref<128x128xf32, #tpu.memory_space<vmem_shared>>
      %dma_start3A_121 = arith.constant 0 : i32
      %dma_start3A_122 = tpu.memref_slice %arg10[%add3A_12, %dma_start3A_121] : memref<10112x128xf32, #tpu.memory_space<vmem_shared>> -> memref<128x128xf32, #tpu.memory_space<vmem_shared>>
      tpu.enqueue_dma source(%arg8 : memref<128x128xf32, #tpu.memory_space<vmem>>) target(%dma_start3A_122 : memref<128x128xf32, #tpu.memory_space<vmem_shared>>) target_semaphore(%run_scoped3A : memref<!tpu.dma_semaphore, #tpu.memory_space<semaphore_mem>>)
      %dma_wait3A = arith.constant 0 : i32
      %dma_wait3A_123 = tpu.memref_slice %arg10[%add3A_12, %dma_wait3A] : memref<10112x128xf32, #tpu.memory_space<vmem_shared>> -> memref<128x128xf32, #tpu.memory_space<vmem_shared>>
      %dma_wait3A_124 = arith.constant 0 : i32
      %dma_wait3A_125 = tpu.memref_slice %arg10[%add3A_12, %dma_wait3A_124] : memref<10112x128xf32, #tpu.memory_space<vmem_shared>> -> memref<128x128xf32, #tpu.memory_space<vmem_shared>>
      tpu.wait_dma2 semaphore(%run_scoped3A : memref<!tpu.dma_semaphore, #tpu.memory_space<semaphore_mem>>) src(%arg8 : memref<128x128xf32, #tpu.memory_space<vmem>>) dst(%dma_wait3A_125 : memref<128x128xf32, #tpu.memory_space<vmem_shared>>)
      tpu.yield
    }) : () -> ()
    %add3A_13 = arith.constant 128 : i32
    %add3A_14 = arith.addi %mul3A_10, %add3A_13 : i32
    "tpu.region"() ({
      %run_scoped3A = tpu.sem_alloc : memref<!tpu.dma_semaphore, #tpu.memory_space<semaphore_mem>>
      %dma_start3A = arith.constant 0 : i32
      %dma_start3A_120 = tpu.memref_slice %arg10[%add3A_14, %dma_start3A] : memref<10112x128xf32, #tpu.memory_space<vmem_shared>> -> memref<128x128xf32, #tpu.memory_space<vmem_shared>>
      %dma_start3A_121 = arith.constant 0 : i32
      %dma_start3A_122 = tpu.memref_slice %arg10[%add3A_14, %dma_start3A_121] : memref<10112x128xf32, #tpu.memory_space<vmem_shared>> -> memref<128x128xf32, #tpu.memory_space<vmem_shared>>
      tpu.enqueue_dma source(%arg8 : memref<128x128xf32, #tpu.memory_space<vmem>>) target(%dma_start3A_122 : memref<128x128xf32, #tpu.memory_space<vmem_shared>>) target_semaphore(%run_scoped3A : memref<!tpu.dma_semaphore, #tpu.memory_space<semaphore_mem>>)
      %dma_wait3A = arith.constant 0 : i32
      %dma_wait3A_123 = tpu.memref_slice %arg10[%add3A_14, %dma_wait3A] : memref<10112x128xf32, #tpu.memory_space<vmem_shared>> -> memref<128x128xf32, #tpu.memory_space<vmem_shared>>
      %dma_wait3A_124 = arith.constant 0 : i32
      %dma_wait3A_125 = tpu.memref_slice %arg10[%add3A_14, %dma_wait3A_124] : memref<10112x128xf32, #tpu.memory_space<vmem_shared>> -> memref<128x128xf32, #tpu.memory_space<vmem_shared>>
      tpu.wait_dma2 semaphore(%run_scoped3A : memref<!tpu.dma_semaphore, #tpu.memory_space<semaphore_mem>>) src(%arg8 : memref<128x128xf32, #tpu.memory_space<vmem>>) dst(%dma_wait3A_125 : memref<128x128xf32, #tpu.memory_space<vmem_shared>>)
      tpu.yield
    }) : () -> ()
    %add3A_15 = arith.constant 256 : i32
    %add3A_16 = arith.addi %mul3A_10, %add3A_15 : i32
    "tpu.region"() ({
      %run_scoped3A = tpu.sem_alloc : memref<!tpu.dma_semaphore, #tpu.memory_space<semaphore_mem>>
      %dma_start3A = arith.constant 0 : i32
      %dma_start3A_120 = tpu.memref_slice %arg10[%add3A_16, %dma_start3A] : memref<10112x128xf32, #tpu.memory_space<vmem_shared>> -> memref<128x128xf32, #tpu.memory_space<vmem_shared>>
      %dma_start3A_121 = arith.constant 0 : i32
      %dma_start3A_122 = tpu.memref_slice %arg10[%add3A_16, %dma_start3A_121] : memref<10112x128xf32, #tpu.memory_space<vmem_shared>> -> memref<128x128xf32, #tpu.memory_space<vmem_shared>>
      tpu.enqueue_dma source(%arg8 : memref<128x128xf32, #tpu.memory_space<vmem>>) target(%dma_start3A_122 : memref<128x128xf32, #tpu.memory_space<vmem_shared>>) target_semaphore(%run_scoped3A : memref<!tpu.dma_semaphore, #tpu.memory_space<semaphore_mem>>)
      %dma_wait3A = arith.constant 0 : i32
      %dma_wait3A_123 = tpu.memref_slice %arg10[%add3A_16, %dma_wait3A] : memref<10112x128xf32, #tpu.memory_space<vmem_shared>> -> memref<128x128xf32, #tpu.memory_space<vmem_shared>>
      %dma_wait3A_124 = arith.constant 0 : i32
      %dma_wait3A_125 = tpu.memref_slice %arg10[%add3A_16, %dma_wait3A_124] : memref<10112x128xf32, #tpu.memory_space<vmem_shared>> -> memref<128x128xf32, #tpu.memory_space<vmem_shared>>
      tpu.wait_dma2 semaphore(%run_scoped3A : memref<!tpu.dma_semaphore, #tpu.memory_space<semaphore_mem>>) src(%arg8 : memref<128x128xf32, #tpu.memory_space<vmem>>) dst(%dma_wait3A_125 : memref<128x128xf32, #tpu.memory_space<vmem_shared>>)
      tpu.yield
    }) : () -> ()
    %add3A_17 = arith.constant 384 : i32
    %add3A_18 = arith.addi %mul3A_10, %add3A_17 : i32
    "tpu.region"() ({
      %run_scoped3A = tpu.sem_alloc : memref<!tpu.dma_semaphore, #tpu.memory_space<semaphore_mem>>
      %dma_start3A = arith.constant 0 : i32
      %dma_start3A_120 = tpu.memref_slice %arg10[%add3A_18, %dma_start3A] : memref<10112x128xf32, #tpu.memory_space<vmem_shared>> -> memref<128x128xf32, #tpu.memory_space<vmem_shared>>
      %dma_start3A_121 = arith.constant 0 : i32
      %dma_start3A_122 = tpu.memref_slice %arg10[%add3A_18, %dma_start3A_121] : memref<10112x128xf32, #tpu.memory_space<vmem_shared>> -> memref<128x128xf32, #tpu.memory_space<vmem_shared>>
      tpu.enqueue_dma source(%arg8 : memref<128x128xf32, #tpu.memory_space<vmem>>) target(%dma_start3A_122 : memref<128x128xf32, #tpu.memory_space<vmem_shared>>) target_semaphore(%run_scoped3A : memref<!tpu.dma_semaphore, #tpu.memory_space<semaphore_mem>>)
      %dma_wait3A = arith.constant 0 : i32
      %dma_wait3A_123 = tpu.memref_slice %arg10[%add3A_18, %dma_wait3A] : memref<10112x128xf32, #tpu.memory_space<vmem_shared>> -> memref<128x128xf32, #tpu.memory_space<vmem_shared>>
      %dma_wait3A_124 = arith.constant 0 : i32
      %dma_wait3A_125 = tpu.memref_slice %arg10[%add3A_18, %dma_wait3A_124] : memref<10112x128xf32, #tpu.memory_space<vmem_shared>> -> memref<128x128xf32, #tpu.memory_space<vmem_shared>>
      tpu.wait_dma2 semaphore(%run_scoped3A : memref<!tpu.dma_semaphore, #tpu.memory_space<semaphore_mem>>) src(%arg8 : memref<128x128xf32, #tpu.memory_space<vmem>>) dst(%dma_wait3A_125 : memref<128x128xf32, #tpu.memory_space<vmem_shared>>)
      tpu.yield
    }) : () -> ()
    %add3A_19 = arith.constant 512 : i32
    %add3A_20 = arith.addi %mul3A_10, %add3A_19 : i32
    "tpu.region"() ({
      %run_scoped3A = tpu.sem_alloc : memref<!tpu.dma_semaphore, #tpu.memory_space<semaphore_mem>>
      %dma_start3A = arith.constant 0 : i32
      %dma_start3A_120 = arith.constant 0 : i32
      %dma_start3A_121 = tpu.memref_slice %arg8[%dma_start3A, %dma_start3A_120] : memref<128x128xf32, #tpu.memory_space<vmem>> -> memref<120x128xf32, #tpu.memory_space<vmem>>
      %dma_start3A_122 = arith.constant 0 : i32
      %dma_start3A_123 = tpu.memref_slice %arg10[%add3A_20, %dma_start3A_122] : memref<10112x128xf32, #tpu.memory_space<vmem_shared>> -> memref<120x128xf32, #tpu.memory_space<vmem_shared>>
      %dma_start3A_124 = arith.constant 0 : i32
      %dma_start3A_125 = tpu.memref_slice %arg10[%add3A_20, %dma_start3A_124] : memref<10112x128xf32, #tpu.memory_space<vmem_shared>> -> memref<120x128xf32, #tpu.memory_space<vmem_shared>>
      %dma_start3A_126 = arith.constant 0 : i32
      %dma_start3A_127 = arith.constant 0 : i32
      %dma_start3A_128 = tpu.memref_slice %arg8[%dma_start3A_126, %dma_start3A_127] : memref<128x128xf32, #tpu.memory_space<vmem>> -> memref<120x128xf32, #tpu.memory_space<vmem>>
      tpu.enqueue_dma source(%dma_start3A_128 : memref<120x128xf32, #tpu.memory_space<vmem>>) target(%dma_start3A_125 : memref<120x128xf32, #tpu.memory_space<vmem_shared>>) target_semaphore(%run_scoped3A : memref<!tpu.dma_semaphore, #tpu.memory_space<semaphore_mem>>)
      %dma_wait3A = arith.constant 0 : i32
      %dma_wait3A_129 = arith.constant 0 : i32
      %dma_wait3A_130 = tpu.memref_slice %arg8[%dma_wait3A, %dma_wait3A_129] : memref<128x128xf32, #tpu.memory_space<vmem>> -> memref<120x128xf32, #tpu.memory_space<vmem>>
      %dma_wait3A_131 = arith.constant 0 : i32
      %dma_wait3A_132 = tpu.memref_slice %arg10[%add3A_20, %dma_wait3A_131] : memref<10112x128xf32, #tpu.memory_space<vmem_shared>> -> memref<120x128xf32, #tpu.memory_space<vmem_shared>>
      %dma_wait3A_133 = arith.constant 0 : i32
      %dma_wait3A_134 = tpu.memref_slice %arg10[%add3A_20, %dma_wait3A_133] : memref<10112x128xf32, #tpu.memory_space<vmem_shared>> -> memref<120x128xf32, #tpu.memory_space<vmem_shared>>
      %dma_wait3A_135 = arith.constant 0 : i32
      %dma_wait3A_136 = arith.constant 0 : i32
      %dma_wait3A_137 = tpu.memref_slice %arg8[%dma_wait3A_135, %dma_wait3A_136] : memref<128x128xf32, #tpu.memory_space<vmem>> -> memref<120x128xf32, #tpu.memory_space<vmem>>
      tpu.wait_dma2 semaphore(%run_scoped3A : memref<!tpu.dma_semaphore, #tpu.memory_space<semaphore_mem>>) src(%dma_wait3A_137 : memref<120x128xf32, #tpu.memory_space<vmem>>) dst(%dma_wait3A_134 : memref<120x128xf32, #tpu.memory_space<vmem_shared>>)
      tpu.yield
    }) : () -> ()
    %barrier3A = arith.constant 0 : index
    tpu.barrier barrier_id(%barrier3A)
    %sub3A = arith.constant 0 : i32
    %sub3A_21 = arith.subi %select_n3A, %sub3A : i32
    %jit3A_22 = arith.constant 0 : i32
    %jit3A_23 = arith.constant 48 : i32
    %max3A = arith.maxsi %jit3A_22, %sub3A_21 : i32
    %min3A = arith.minsi %jit3A_23, %max3A : i32
    "tpu.region"() ({
      %run_scoped3A = tpu.sem_alloc : memref<!tpu.dma_semaphore, #tpu.memory_space<semaphore_mem>>
      %dma_start3A = arith.constant 0 : i32
      %dma_start3A_120 = arith.constant 0 : i32
      %dma_start3A_121 = tpu.memref_slice %arg3[%add3A, %dma_start3A, %dma_start3A_120] : memref<32x96x128xi32, #tpu.memory_space<hbm>> -> memref<1x96x128xi32, #tpu.memory_space<hbm>>
      %dma_start3A_122 = tpu.memref_squeeze %dma_start3A_121 : memref<1x96x128xi32, #tpu.memory_space<hbm>> -> memref<96x128xi32, #tpu.memory_space<hbm>>
      %dma_start3A_123 = arith.constant 0 : i32
      %dma_start3A_124 = arith.constant 0 : i32
      %dma_start3A_125 = tpu.memref_slice %dma_start3A_122[%dma_start3A_123, %dma_start3A_124] : memref<96x128xi32, #tpu.memory_space<hbm>> -> memref<48x128xi32, #tpu.memory_space<hbm>>
      %dma_start3A_126 = arith.constant 0 : i32
      %dma_start3A_127 = arith.constant 0 : i32
      %dma_start3A_128 = tpu.memref_slice %arg3[%add3A, %dma_start3A_126, %dma_start3A_127] : memref<32x96x128xi32, #tpu.memory_space<hbm>> -> memref<1x96x128xi32, #tpu.memory_space<hbm>>
      %dma_start3A_129 = tpu.memref_squeeze %dma_start3A_128 : memref<1x96x128xi32, #tpu.memory_space<hbm>> -> memref<96x128xi32, #tpu.memory_space<hbm>>
      %dma_start3A_130 = arith.constant 0 : i32
      %dma_start3A_131 = arith.constant 0 : i32
      %dma_start3A_132 = tpu.memref_slice %dma_start3A_129[%dma_start3A_130, %dma_start3A_131] : memref<96x128xi32, #tpu.memory_space<hbm>> -> memref<48x128xi32, #tpu.memory_space<hbm>>
      tpu.enqueue_dma source(%dma_start3A_132 : memref<48x128xi32, #tpu.memory_space<hbm>>) target(%arg6 : memref<48x128xi32, #tpu.memory_space<vmem>>) target_semaphore(%run_scoped3A : memref<!tpu.dma_semaphore, #tpu.memory_space<semaphore_mem>>)
      %dma_wait3A = arith.constant 0 : i32
      %dma_wait3A_133 = arith.constant 0 : i32
      %dma_wait3A_134 = tpu.memref_slice %arg3[%add3A, %dma_wait3A, %dma_wait3A_133] : memref<32x96x128xi32, #tpu.memory_space<hbm>> -> memref<1x96x128xi32, #tpu.memory_space<hbm>>
      %dma_wait3A_135 = tpu.memref_squeeze %dma_wait3A_134 : memref<1x96x128xi32, #tpu.memory_space<hbm>> -> memref<96x128xi32, #tpu.memory_space<hbm>>
      %dma_wait3A_136 = arith.constant 0 : i32
      %dma_wait3A_137 = arith.constant 0 : i32
      %dma_wait3A_138 = tpu.memref_slice %dma_wait3A_135[%dma_wait3A_136, %dma_wait3A_137] : memref<96x128xi32, #tpu.memory_space<hbm>> -> memref<48x128xi32, #tpu.memory_space<hbm>>
      %dma_wait3A_139 = arith.constant 0 : i32
      %dma_wait3A_140 = arith.constant 0 : i32
      %dma_wait3A_141 = tpu.memref_slice %arg3[%add3A, %dma_wait3A_139, %dma_wait3A_140] : memref<32x96x128xi32, #tpu.memory_space<hbm>> -> memref<1x96x128xi32, #tpu.memory_space<hbm>>
      %dma_wait3A_142 = tpu.memref_squeeze %dma_wait3A_141 : memref<1x96x128xi32, #tpu.memory_space<hbm>> -> memref<96x128xi32, #tpu.memory_space<hbm>>
      %dma_wait3A_143 = arith.constant 0 : i32
      %dma_wait3A_144 = arith.constant 0 : i32
      %dma_wait3A_145 = tpu.memref_slice %dma_wait3A_142[%dma_wait3A_143, %dma_wait3A_144] : memref<96x128xi32, #tpu.memory_space<hbm>> -> memref<48x128xi32, #tpu.memory_space<hbm>>
      tpu.wait_dma2 semaphore(%run_scoped3A : memref<!tpu.dma_semaphore, #tpu.memory_space<semaphore_mem>>) src(%dma_wait3A_145 : memref<48x128xi32, #tpu.memory_space<hbm>>) dst(%arg6 : memref<48x128xi32, #tpu.memory_space<vmem>>)
      tpu.yield
    }) : () -> ()
    "tpu.region"() ({
      %run_scoped3A = tpu.sem_alloc : memref<!tpu.dma_semaphore, #tpu.memory_space<semaphore_mem>>
      %dma_start3A = arith.constant 0 : i32
      %dma_start3A_120 = arith.constant 0 : i32
      %dma_start3A_121 = tpu.memref_slice %arg4[%add3A, %dma_start3A, %dma_start3A_120] : memref<32x96x128xi32, #tpu.memory_space<hbm>> -> memref<1x96x128xi32, #tpu.memory_space<hbm>>
      %dma_start3A_122 = tpu.memref_squeeze %dma_start3A_121 : memref<1x96x128xi32, #tpu.memory_space<hbm>> -> memref<96x128xi32, #tpu.memory_space<hbm>>
      %dma_start3A_123 = arith.constant 0 : i32
      %dma_start3A_124 = arith.constant 0 : i32
      %dma_start3A_125 = tpu.memref_slice %dma_start3A_122[%dma_start3A_123, %dma_start3A_124] : memref<96x128xi32, #tpu.memory_space<hbm>> -> memref<48x128xi32, #tpu.memory_space<hbm>>
      %dma_start3A_126 = arith.constant 0 : i32
      %dma_start3A_127 = arith.constant 0 : i32
      %dma_start3A_128 = tpu.memref_slice %arg4[%add3A, %dma_start3A_126, %dma_start3A_127] : memref<32x96x128xi32, #tpu.memory_space<hbm>> -> memref<1x96x128xi32, #tpu.memory_space<hbm>>
      %dma_start3A_129 = tpu.memref_squeeze %dma_start3A_128 : memref<1x96x128xi32, #tpu.memory_space<hbm>> -> memref<96x128xi32, #tpu.memory_space<hbm>>
      %dma_start3A_130 = arith.constant 0 : i32
      %dma_start3A_131 = arith.constant 0 : i32
      %dma_start3A_132 = tpu.memref_slice %dma_start3A_129[%dma_start3A_130, %dma_start3A_131] : memref<96x128xi32, #tpu.memory_space<hbm>> -> memref<48x128xi32, #tpu.memory_space<hbm>>
      tpu.enqueue_dma source(%dma_start3A_132 : memref<48x128xi32, #tpu.memory_space<hbm>>) target(%arg7 : memref<48x128xi32, #tpu.memory_space<vmem>>) target_semaphore(%run_scoped3A : memref<!tpu.dma_semaphore, #tpu.memory_space<semaphore_mem>>)
      %dma_wait3A = arith.constant 0 : i32
      %dma_wait3A_133 = arith.constant 0 : i32
      %dma_wait3A_134 = tpu.memref_slice %arg4[%add3A, %dma_wait3A, %dma_wait3A_133] : memref<32x96x128xi32, #tpu.memory_space<hbm>> -> memref<1x96x128xi32, #tpu.memory_space<hbm>>
      %dma_wait3A_135 = tpu.memref_squeeze %dma_wait3A_134 : memref<1x96x128xi32, #tpu.memory_space<hbm>> -> memref<96x128xi32, #tpu.memory_space<hbm>>
      %dma_wait3A_136 = arith.constant 0 : i32
      %dma_wait3A_137 = arith.constant 0 : i32
      %dma_wait3A_138 = tpu.memref_slice %dma_wait3A_135[%dma_wait3A_136, %dma_wait3A_137] : memref<96x128xi32, #tpu.memory_space<hbm>> -> memref<48x128xi32, #tpu.memory_space<hbm>>
      %dma_wait3A_139 = arith.constant 0 : i32
      %dma_wait3A_140 = arith.constant 0 : i32
      %dma_wait3A_141 = tpu.memref_slice %arg4[%add3A, %dma_wait3A_139, %dma_wait3A_140] : memref<32x96x128xi32, #tpu.memory_space<hbm>> -> memref<1x96x128xi32, #tpu.memory_space<hbm>>
      %dma_wait3A_142 = tpu.memref_squeeze %dma_wait3A_141 : memref<1x96x128xi32, #tpu.memory_space<hbm>> -> memref<96x128xi32, #tpu.memory_space<hbm>>
      %dma_wait3A_143 = arith.constant 0 : i32
      %dma_wait3A_144 = arith.constant 0 : i32
      %dma_wait3A_145 = tpu.memref_slice %dma_wait3A_142[%dma_wait3A_143, %dma_wait3A_144] : memref<96x128xi32, #tpu.memory_space<hbm>> -> memref<48x128xi32, #tpu.memory_space<hbm>>
      tpu.wait_dma2 semaphore(%run_scoped3A : memref<!tpu.dma_semaphore, #tpu.memory_space<semaphore_mem>>) src(%dma_wait3A_145 : memref<48x128xi32, #tpu.memory_space<hbm>>) dst(%arg7 : memref<48x128xi32, #tpu.memory_space<vmem>>)
      tpu.yield
    }) : () -> ()
    %gt3A = arith.constant 0 : i32
    %gt3A_24 = arith.cmpi sgt, %min3A, %gt3A : i32
    %convert_element_type3A = arith.extui %gt3A_24 : i1 to i32
    %cond3A = arith.constant 0 : i32
    %cond3A_25 = arith.cmpi ne, %convert_element_type3A, %cond3A : i32
    scf.if %cond3A_25 {
      %dma_start3A = arith.constant 0 : i32
      %dma_start3A_120 = arith.constant 0 : i32
      %dma_start3A_121 = tpu.memref_slice %arg6[%dma_start3A, %dma_start3A_120] : memref<48x128xi32, #tpu.memory_space<vmem>> -> memref<1x128xi32, #tpu.memory_space<vmem>>
      %dma_start3A_122 = tpu.memref_squeeze %dma_start3A_121 : memref<1x128xi32, #tpu.memory_space<vmem>> -> memref<128xi32, #tpu.memory_space<vmem>>
      %dma_start3A_123 = arith.constant 0 : i32
      %dma_start3A_124 = arith.constant 0 : i32
      %dma_start3A_125 = tpu.memref_slice %arg2[%dma_start3A_123, %dma_start3A_124] : memref<10000x128xf32, #tpu.memory_space<hbm>> -> memref<10000x128xf32, #tpu.memory_space<hbm>>
      tpu.enqueue_indirect_dma source(%dma_start3A_125 : memref<10000x128xf32, #tpu.memory_space<hbm>>) target(%arg8 : memref<128x128xf32, #tpu.memory_space<vmem>>) offsets(%dma_start3A_122 : memref<128xi32, #tpu.memory_space<vmem>>) semaphore(%arg11 : memref<!tpu.dma_semaphore, #tpu.memory_space<semaphore_mem>>)
    } else {
    }
    %jit3A_26 = arith.constant 2 : i32
    %div3A = arith.divsi %min3A, %jit3A_26 : i32
    %sign3A = arith.constant 0 : i32
    %sign3A_27 = arith.cmpi sgt, %min3A, %sign3A : i32
    %sign3A_28 = arith.extui %sign3A_27 : i1 to i32
    %sign3A_29 = arith.constant 0 : i32
    %sign3A_30 = arith.cmpi slt, %min3A, %sign3A_29 : i32
    %sign3A_31 = arith.extui %sign3A_30 : i1 to i32
    %sign3A_32 = arith.subi %sign3A_28, %sign3A_31 : i32
    %sign3A_33 = arith.constant 0 : i32
    %sign3A_34 = arith.cmpi sgt, %jit3A_26, %sign3A_33 : i32
    %sign3A_35 = arith.extui %sign3A_34 : i1 to i32
    %sign3A_36 = arith.constant 0 : i32
    %sign3A_37 = arith.cmpi slt, %jit3A_26, %sign3A_36 : i32
    %sign3A_38 = arith.extui %sign3A_37 : i1 to i32
    %sign3A_39 = arith.subi %sign3A_35, %sign3A_38 : i32
    %ne3A = arith.cmpi ne, %sign3A_32, %sign3A_39 : i32
    %rem3A = arith.remsi %min3A, %jit3A_26 : i32
    %ne3A_40 = arith.constant 0 : i32
    %ne3A_41 = arith.cmpi ne, %rem3A, %ne3A_40 : i32
    %and3A = arith.andi %ne3A, %ne3A_41 : i1
    %sub3A_42 = arith.constant 1 : i32
    %sub3A_43 = arith.subi %div3A, %sub3A_42 : i32
    %select_n3A_44 = arith.select %and3A, %sub3A_43, %div3A : i32
    %while3A = arith.constant 0 : i32
    %while3A_45 = arith.constant 0 : i32
    %while3A_46 = arith.subi %select_n3A_44, %while3A_45 : i32
    %while3A_47 = arith.addi %while3A_45, %while3A_46 : i32
    %while3A_48 = arith.constant 1 : i32
    %while3A_49 = arith.divsi %while3A_46, %while3A_48 : i32
    %while3A_50 = arith.muli %while3A_49, %while3A_48 : i32
    %while3A_51 = arith.addi %while3A_45, %while3A_50 : i32
    %while3A_52 = arith.constant 1 : i32
    scf.for %while3A_120 = %while3A_45 to %while3A_51 step %while3A_52  : i32 {
      %mul3A_121 = arith.constant 2 : i32
      %mul3A_122 = arith.muli %while3A_120, %mul3A_121 : i32
      %add3A_123 = arith.constant 0 : i32
      %add3A_124 = arith.addi %mul3A_122, %add3A_123 : i32
      %dma_wait3A = arith.constant 0 : i32
      %dma_wait3A_125 = arith.constant 0 : i32
      %dma_wait3A_126 = tpu.memref_slice %arg2[%dma_wait3A, %dma_wait3A_125] : memref<10000x128xf32, #tpu.memory_space<hbm>> -> memref<128x128xf32, #tpu.memory_space<hbm>>
      %dma_wait3A_127 = arith.constant 0 : i32
      %dma_wait3A_128 = arith.constant 0 : i32
      %dma_wait3A_129 = tpu.memref_slice %arg2[%dma_wait3A_127, %dma_wait3A_128] : memref<10000x128xf32, #tpu.memory_space<hbm>> -> memref<128x128xf32, #tpu.memory_space<hbm>>
      tpu.wait_dma2 semaphore(%arg11 : memref<!tpu.dma_semaphore, #tpu.memory_space<semaphore_mem>>) src(%dma_wait3A_129 : memref<128x128xf32, #tpu.memory_space<hbm>>) dst(%arg8 : memref<128x128xf32, #tpu.memory_space<vmem>>)
      %dma_start3A = arith.constant 0 : i32
      %dma_start3A_130 = tpu.memref_slice %arg7[%add3A_124, %dma_start3A] : memref<48x128xi32, #tpu.memory_space<vmem>> -> memref<1x128xi32, #tpu.memory_space<vmem>>
      %dma_start3A_131 = tpu.memref_squeeze %dma_start3A_130 : memref<1x128xi32, #tpu.memory_space<vmem>> -> memref<128xi32, #tpu.memory_space<vmem>>
      %dma_start3A_132 = arith.constant 0 : i32
      %dma_start3A_133 = arith.constant 0 : i32
      %dma_start3A_134 = tpu.memref_slice %arg10[%dma_start3A_132, %dma_start3A_133] : memref<10112x128xf32, #tpu.memory_space<vmem_shared>> -> memref<10112x128xf32, #tpu.memory_space<vmem_shared>>
      tpu.enqueue_indirect_dma source(%arg8 : memref<128x128xf32, #tpu.memory_space<vmem>>) target(%dma_start3A_134 : memref<10112x128xf32, #tpu.memory_space<vmem_shared>>) offsets(%dma_start3A_131 : memref<128xi32, #tpu.memory_space<vmem>>) semaphore(%arg13 : memref<!tpu.dma_semaphore, #tpu.memory_space<semaphore_mem>>) {add = true}
      %ge3A = arith.constant 1 : i32
      %ge3A_135 = arith.cmpi sge, %while3A_120, %ge3A : i32
      %convert_element_type3A_136 = arith.extui %ge3A_135 : i1 to i32
      %cond3A_137 = arith.constant 0 : i32
      %cond3A_138 = arith.cmpi ne, %convert_element_type3A_136, %cond3A_137 : i32
      scf.if %cond3A_138 {
        %dma_wait3A_198 = arith.constant 0 : i32
        %dma_wait3A_199 = arith.constant 0 : i32
        %dma_wait3A_200 = tpu.memref_slice %arg10[%dma_wait3A_198, %dma_wait3A_199] : memref<10112x128xf32, #tpu.memory_space<vmem_shared>> -> memref<128x128xf32, #tpu.memory_space<vmem_shared>>
        %dma_wait3A_201 = arith.constant 0 : i32
        %dma_wait3A_202 = arith.constant 0 : i32
        %dma_wait3A_203 = tpu.memref_slice %arg10[%dma_wait3A_201, %dma_wait3A_202] : memref<10112x128xf32, #tpu.memory_space<vmem_shared>> -> memref<128x128xf32, #tpu.memory_space<vmem_shared>>
        tpu.wait_dma2 semaphore(%arg14 : memref<!tpu.dma_semaphore, #tpu.memory_space<semaphore_mem>>) src(%arg9 : memref<128x128xf32, #tpu.memory_space<vmem>>) dst(%dma_wait3A_203 : memref<128x128xf32, #tpu.memory_space<vmem_shared>>)
      } else {
      }
      %add3A_139 = arith.constant 1 : i32
      %add3A_140 = arith.addi %add3A_124, %add3A_139 : i32
      %dma_start3A_141 = arith.constant 0 : i32
      %dma_start3A_142 = tpu.memref_slice %arg6[%add3A_140, %dma_start3A_141] : memref<48x128xi32, #tpu.memory_space<vmem>> -> memref<1x128xi32, #tpu.memory_space<vmem>>
      %dma_start3A_143 = tpu.memref_squeeze %dma_start3A_142 : memref<1x128xi32, #tpu.memory_space<vmem>> -> memref<128xi32, #tpu.memory_space<vmem>>
      %dma_start3A_144 = arith.constant 0 : i32
      %dma_start3A_145 = arith.constant 0 : i32
      %dma_start3A_146 = tpu.memref_slice %arg2[%dma_start3A_144, %dma_start3A_145] : memref<10000x128xf32, #tpu.memory_space<hbm>> -> memref<10000x128xf32, #tpu.memory_space<hbm>>
      tpu.enqueue_indirect_dma source(%dma_start3A_146 : memref<10000x128xf32, #tpu.memory_space<hbm>>) target(%arg9 : memref<128x128xf32, #tpu.memory_space<vmem>>) offsets(%dma_start3A_143 : memref<128xi32, #tpu.memory_space<vmem>>) semaphore(%arg12 : memref<!tpu.dma_semaphore, #tpu.memory_space<semaphore_mem>>)
      %mul3A_147 = arith.constant 2 : i32
      %mul3A_148 = arith.muli %while3A_120, %mul3A_147 : i32
      %add3A_149 = arith.constant 1 : i32
      %add3A_150 = arith.addi %mul3A_148, %add3A_149 : i32
      %dma_wait3A_151 = arith.constant 0 : i32
      %dma_wait3A_152 = arith.constant 0 : i32
      %dma_wait3A_153 = tpu.memref_slice %arg2[%dma_wait3A_151, %dma_wait3A_152] : memref<10000x128xf32, #tpu.memory_space<hbm>> -> memref<128x128xf32, #tpu.memory_space<hbm>>
      %dma_wait3A_154 = arith.constant 0 : i32
      %dma_wait3A_155 = arith.constant 0 : i32
      %dma_wait3A_156 = tpu.memref_slice %arg2[%dma_wait3A_154, %dma_wait3A_155] : memref<10000x128xf32, #tpu.memory_space<hbm>> -> memref<128x128xf32, #tpu.memory_space<hbm>>
      tpu.wait_dma2 semaphore(%arg12 : memref<!tpu.dma_semaphore, #tpu.memory_space<semaphore_mem>>) src(%dma_wait3A_156 : memref<128x128xf32, #tpu.memory_space<hbm>>) dst(%arg9 : memref<128x128xf32, #tpu.memory_space<vmem>>)
      %dma_start3A_157 = arith.constant 0 : i32
      %dma_start3A_158 = tpu.memref_slice %arg7[%add3A_150, %dma_start3A_157] : memref<48x128xi32, #tpu.memory_space<vmem>> -> memref<1x128xi32, #tpu.memory_space<vmem>>
      %dma_start3A_159 = tpu.memref_squeeze %dma_start3A_158 : memref<1x128xi32, #tpu.memory_space<vmem>> -> memref<128xi32, #tpu.memory_space<vmem>>
      %dma_start3A_160 = arith.constant 0 : i32
      %dma_start3A_161 = arith.constant 0 : i32
      %dma_start3A_162 = tpu.memref_slice %arg10[%dma_start3A_160, %dma_start3A_161] : memref<10112x128xf32, #tpu.memory_space<vmem_shared>> -> memref<10112x128xf32, #tpu.memory_space<vmem_shared>>
      tpu.enqueue_indirect_dma source(%arg9 : memref<128x128xf32, #tpu.memory_space<vmem>>) target(%dma_start3A_162 : memref<10112x128xf32, #tpu.memory_space<vmem_shared>>) offsets(%dma_start3A_159 : memref<128xi32, #tpu.memory_space<vmem>>) semaphore(%arg14 : memref<!tpu.dma_semaphore, #tpu.memory_space<semaphore_mem>>) {add = true}
      %dma_wait3A_163 = arith.constant 0 : i32
      %dma_wait3A_164 = arith.constant 0 : i32
      %dma_wait3A_165 = tpu.memref_slice %arg10[%dma_wait3A_163, %dma_wait3A_164] : memref<10112x128xf32, #tpu.memory_space<vmem_shared>> -> memref<128x128xf32, #tpu.memory_space<vmem_shared>>
      %dma_wait3A_166 = arith.constant 0 : i32
      %dma_wait3A_167 = arith.constant 0 : i32
      %dma_wait3A_168 = tpu.memref_slice %arg10[%dma_wait3A_166, %dma_wait3A_167] : memref<10112x128xf32, #tpu.memory_space<vmem_shared>> -> memref<128x128xf32, #tpu.memory_space<vmem_shared>>
      tpu.wait_dma2 semaphore(%arg13 : memref<!tpu.dma_semaphore, #tpu.memory_space<semaphore_mem>>) src(%arg8 : memref<128x128xf32, #tpu.memory_space<vmem>>) dst(%dma_wait3A_168 : memref<128x128xf32, #tpu.memory_space<vmem_shared>>)
      %add3A_169 = arith.constant 1 : i32
      %add3A_170 = arith.addi %while3A_120, %add3A_169 : i32
      %jit3A_171 = arith.constant 2 : i32
      %div3A_172 = arith.divsi %min3A, %jit3A_171 : i32
      %sign3A_173 = arith.constant 0 : i32
      %sign3A_174 = arith.cmpi sgt, %min3A, %sign3A_173 : i32
      %sign3A_175 = arith.extui %sign3A_174 : i1 to i32
      %sign3A_176 = arith.constant 0 : i32
      %sign3A_177 = arith.cmpi slt, %min3A, %sign3A_176 : i32
      %sign3A_178 = arith.extui %sign3A_177 : i1 to i32
      %sign3A_179 = arith.subi %sign3A_175, %sign3A_178 : i32
      %sign3A_180 = arith.constant 0 : i32
      %sign3A_181 = arith.cmpi sgt, %jit3A_171, %sign3A_180 : i32
      %sign3A_182 = arith.extui %sign3A_181 : i1 to i32
      %sign3A_183 = arith.constant 0 : i32
      %sign3A_184 = arith.cmpi slt, %jit3A_171, %sign3A_183 : i32
      %sign3A_185 = arith.extui %sign3A_184 : i1 to i32
      %sign3A_186 = arith.subi %sign3A_182, %sign3A_185 : i32
      %ne3A_187 = arith.cmpi ne, %sign3A_179, %sign3A_186 : i32
      %rem3A_188 = arith.remsi %min3A, %jit3A_171 : i32
      %ne3A_189 = arith.constant 0 : i32
      %ne3A_190 = arith.cmpi ne, %rem3A_188, %ne3A_189 : i32
      %and3A_191 = arith.andi %ne3A_187, %ne3A_190 : i1
      %sub3A_192 = arith.constant 1 : i32
      %sub3A_193 = arith.subi %div3A_172, %sub3A_192 : i32
      %select_n3A_194 = arith.select %and3A_191, %sub3A_193, %div3A_172 : i32
      %lt3A = arith.cmpi slt, %add3A_170, %select_n3A_194 : i32
      %convert_element_type3A_195 = arith.extui %lt3A : i1 to i32
      %cond3A_196 = arith.constant 0 : i32
      %cond3A_197 = arith.cmpi ne, %convert_element_type3A_195, %cond3A_196 : i32
      scf.if %cond3A_197 {
        %add3A_198 = arith.constant 1 : i32
        %add3A_199 = arith.addi %add3A_150, %add3A_198 : i32
        %dma_start3A_200 = arith.constant 0 : i32
        %dma_start3A_201 = tpu.memref_slice %arg6[%add3A_199, %dma_start3A_200] : memref<48x128xi32, #tpu.memory_space<vmem>> -> memref<1x128xi32, #tpu.memory_space<vmem>>
        %dma_start3A_202 = tpu.memref_squeeze %dma_start3A_201 : memref<1x128xi32, #tpu.memory_space<vmem>> -> memref<128xi32, #tpu.memory_space<vmem>>
        %dma_start3A_203 = arith.constant 0 : i32
        %dma_start3A_204 = arith.constant 0 : i32
        %dma_start3A_205 = tpu.memref_slice %arg2[%dma_start3A_203, %dma_start3A_204] : memref<10000x128xf32, #tpu.memory_space<hbm>> -> memref<10000x128xf32, #tpu.memory_space<hbm>>
        tpu.enqueue_indirect_dma source(%dma_start3A_205 : memref<10000x128xf32, #tpu.memory_space<hbm>>) target(%arg8 : memref<128x128xf32, #tpu.memory_space<vmem>>) offsets(%dma_start3A_202 : memref<128xi32, #tpu.memory_space<vmem>>) semaphore(%arg11 : memref<!tpu.dma_semaphore, #tpu.memory_space<semaphore_mem>>)
      } else {
      }
    }
    %while3A_53 = arith.constant 1 : i32
    scf.for %while3A_120 = %while3A_51 to %while3A_47 step %while3A_53  : i32 {
      %mul3A_121 = arith.constant 2 : i32
      %mul3A_122 = arith.muli %while3A_120, %mul3A_121 : i32
      %add3A_123 = arith.constant 0 : i32
      %add3A_124 = arith.addi %mul3A_122, %add3A_123 : i32
      %dma_wait3A = arith.constant 0 : i32
      %dma_wait3A_125 = arith.constant 0 : i32
      %dma_wait3A_126 = tpu.memref_slice %arg2[%dma_wait3A, %dma_wait3A_125] : memref<10000x128xf32, #tpu.memory_space<hbm>> -> memref<128x128xf32, #tpu.memory_space<hbm>>
      %dma_wait3A_127 = arith.constant 0 : i32
      %dma_wait3A_128 = arith.constant 0 : i32
      %dma_wait3A_129 = tpu.memref_slice %arg2[%dma_wait3A_127, %dma_wait3A_128] : memref<10000x128xf32, #tpu.memory_space<hbm>> -> memref<128x128xf32, #tpu.memory_space<hbm>>
      tpu.wait_dma2 semaphore(%arg11 : memref<!tpu.dma_semaphore, #tpu.memory_space<semaphore_mem>>) src(%dma_wait3A_129 : memref<128x128xf32, #tpu.memory_space<hbm>>) dst(%arg8 : memref<128x128xf32, #tpu.memory_space<vmem>>)
      %dma_start3A = arith.constant 0 : i32
      %dma_start3A_130 = tpu.memref_slice %arg7[%add3A_124, %dma_start3A] : memref<48x128xi32, #tpu.memory_space<vmem>> -> memref<1x128xi32, #tpu.memory_space<vmem>>
      %dma_start3A_131 = tpu.memref_squeeze %dma_start3A_130 : memref<1x128xi32, #tpu.memory_space<vmem>> -> memref<128xi32, #tpu.memory_space<vmem>>
      %dma_start3A_132 = arith.constant 0 : i32
      %dma_start3A_133 = arith.constant 0 : i32
      %dma_start3A_134 = tpu.memref_slice %arg10[%dma_start3A_132, %dma_start3A_133] : memref<10112x128xf32, #tpu.memory_space<vmem_shared>> -> memref<10112x128xf32, #tpu.memory_space<vmem_shared>>
      tpu.enqueue_indirect_dma source(%arg8 : memref<128x128xf32, #tpu.memory_space<vmem>>) target(%dma_start3A_134 : memref<10112x128xf32, #tpu.memory_space<vmem_shared>>) offsets(%dma_start3A_131 : memref<128xi32, #tpu.memory_space<vmem>>) semaphore(%arg13 : memref<!tpu.dma_semaphore, #tpu.memory_space<semaphore_mem>>) {add = true}
      %ge3A = arith.constant 1 : i32
      %ge3A_135 = arith.cmpi sge, %while3A_120, %ge3A : i32
      %convert_element_type3A_136 = arith.extui %ge3A_135 : i1 to i32
      %cond3A_137 = arith.constant 0 : i32
      %cond3A_138 = arith.cmpi ne, %convert_element_type3A_136, %cond3A_137 : i32
      scf.if %cond3A_138 {
        %dma_wait3A_198 = arith.constant 0 : i32
        %dma_wait3A_199 = arith.constant 0 : i32
        %dma_wait3A_200 = tpu.memref_slice %arg10[%dma_wait3A_198, %dma_wait3A_199] : memref<10112x128xf32, #tpu.memory_space<vmem_shared>> -> memref<128x128xf32, #tpu.memory_space<vmem_shared>>
        %dma_wait3A_201 = arith.constant 0 : i32
        %dma_wait3A_202 = arith.constant 0 : i32
        %dma_wait3A_203 = tpu.memref_slice %arg10[%dma_wait3A_201, %dma_wait3A_202] : memref<10112x128xf32, #tpu.memory_space<vmem_shared>> -> memref<128x128xf32, #tpu.memory_space<vmem_shared>>
        tpu.wait_dma2 semaphore(%arg14 : memref<!tpu.dma_semaphore, #tpu.memory_space<semaphore_mem>>) src(%arg9 : memref<128x128xf32, #tpu.memory_space<vmem>>) dst(%dma_wait3A_203 : memref<128x128xf32, #tpu.memory_space<vmem_shared>>)
      } else {
      }
      %add3A_139 = arith.constant 1 : i32
      %add3A_140 = arith.addi %add3A_124, %add3A_139 : i32
      %dma_start3A_141 = arith.constant 0 : i32
      %dma_start3A_142 = tpu.memref_slice %arg6[%add3A_140, %dma_start3A_141] : memref<48x128xi32, #tpu.memory_space<vmem>> -> memref<1x128xi32, #tpu.memory_space<vmem>>
      %dma_start3A_143 = tpu.memref_squeeze %dma_start3A_142 : memref<1x128xi32, #tpu.memory_space<vmem>> -> memref<128xi32, #tpu.memory_space<vmem>>
      %dma_start3A_144 = arith.constant 0 : i32
      %dma_start3A_145 = arith.constant 0 : i32
      %dma_start3A_146 = tpu.memref_slice %arg2[%dma_start3A_144, %dma_start3A_145] : memref<10000x128xf32, #tpu.memory_space<hbm>> -> memref<10000x128xf32, #tpu.memory_space<hbm>>
      tpu.enqueue_indirect_dma source(%dma_start3A_146 : memref<10000x128xf32, #tpu.memory_space<hbm>>) target(%arg9 : memref<128x128xf32, #tpu.memory_space<vmem>>) offsets(%dma_start3A_143 : memref<128xi32, #tpu.memory_space<vmem>>) semaphore(%arg12 : memref<!tpu.dma_semaphore, #tpu.memory_space<semaphore_mem>>)
      %mul3A_147 = arith.constant 2 : i32
      %mul3A_148 = arith.muli %while3A_120, %mul3A_147 : i32
      %add3A_149 = arith.constant 1 : i32
      %add3A_150 = arith.addi %mul3A_148, %add3A_149 : i32
      %dma_wait3A_151 = arith.constant 0 : i32
      %dma_wait3A_152 = arith.constant 0 : i32
      %dma_wait3A_153 = tpu.memref_slice %arg2[%dma_wait3A_151, %dma_wait3A_152] : memref<10000x128xf32, #tpu.memory_space<hbm>> -> memref<128x128xf32, #tpu.memory_space<hbm>>
      %dma_wait3A_154 = arith.constant 0 : i32
      %dma_wait3A_155 = arith.constant 0 : i32
      %dma_wait3A_156 = tpu.memref_slice %arg2[%dma_wait3A_154, %dma_wait3A_155] : memref<10000x128xf32, #tpu.memory_space<hbm>> -> memref<128x128xf32, #tpu.memory_space<hbm>>
      tpu.wait_dma2 semaphore(%arg12 : memref<!tpu.dma_semaphore, #tpu.memory_space<semaphore_mem>>) src(%dma_wait3A_156 : memref<128x128xf32, #tpu.memory_space<hbm>>) dst(%arg9 : memref<128x128xf32, #tpu.memory_space<vmem>>)
      %dma_start3A_157 = arith.constant 0 : i32
      %dma_start3A_158 = tpu.memref_slice %arg7[%add3A_150, %dma_start3A_157] : memref<48x128xi32, #tpu.memory_space<vmem>> -> memref<1x128xi32, #tpu.memory_space<vmem>>
      %dma_start3A_159 = tpu.memref_squeeze %dma_start3A_158 : memref<1x128xi32, #tpu.memory_space<vmem>> -> memref<128xi32, #tpu.memory_space<vmem>>
      %dma_start3A_160 = arith.constant 0 : i32
      %dma_start3A_161 = arith.constant 0 : i32
      %dma_start3A_162 = tpu.memref_slice %arg10[%dma_start3A_160, %dma_start3A_161] : memref<10112x128xf32, #tpu.memory_space<vmem_shared>> -> memref<10112x128xf32, #tpu.memory_space<vmem_shared>>
      tpu.enqueue_indirect_dma source(%arg9 : memref<128x128xf32, #tpu.memory_space<vmem>>) target(%dma_start3A_162 : memref<10112x128xf32, #tpu.memory_space<vmem_shared>>) offsets(%dma_start3A_159 : memref<128xi32, #tpu.memory_space<vmem>>) semaphore(%arg14 : memref<!tpu.dma_semaphore, #tpu.memory_space<semaphore_mem>>) {add = true}
      %dma_wait3A_163 = arith.constant 0 : i32
      %dma_wait3A_164 = arith.constant 0 : i32
      %dma_wait3A_165 = tpu.memref_slice %arg10[%dma_wait3A_163, %dma_wait3A_164] : memref<10112x128xf32, #tpu.memory_space<vmem_shared>> -> memref<128x128xf32, #tpu.memory_space<vmem_shared>>
      %dma_wait3A_166 = arith.constant 0 : i32
      %dma_wait3A_167 = arith.constant 0 : i32
      %dma_wait3A_168 = tpu.memref_slice %arg10[%dma_wait3A_166, %dma_wait3A_167] : memref<10112x128xf32, #tpu.memory_space<vmem_shared>> -> memref<128x128xf32, #tpu.memory_space<vmem_shared>>
      tpu.wait_dma2 semaphore(%arg13 : memref<!tpu.dma_semaphore, #tpu.memory_space<semaphore_mem>>) src(%arg8 : memref<128x128xf32, #tpu.memory_space<vmem>>) dst(%dma_wait3A_168 : memref<128x128xf32, #tpu.memory_space<vmem_shared>>)
      %add3A_169 = arith.constant 1 : i32
      %add3A_170 = arith.addi %while3A_120, %add3A_169 : i32
      %jit3A_171 = arith.constant 2 : i32
      %div3A_172 = arith.divsi %min3A, %jit3A_171 : i32
      %sign3A_173 = arith.constant 0 : i32
      %sign3A_174 = arith.cmpi sgt, %min3A, %sign3A_173 : i32
      %sign3A_175 = arith.extui %sign3A_174 : i1 to i32
      %sign3A_176 = arith.constant 0 : i32
      %sign3A_177 = arith.cmpi slt, %min3A, %sign3A_176 : i32
      %sign3A_178 = arith.extui %sign3A_177 : i1 to i32
      %sign3A_179 = arith.subi %sign3A_175, %sign3A_178 : i32
      %sign3A_180 = arith.constant 0 : i32
      %sign3A_181 = arith.cmpi sgt, %jit3A_171, %sign3A_180 : i32
      %sign3A_182 = arith.extui %sign3A_181 : i1 to i32
      %sign3A_183 = arith.constant 0 : i32
      %sign3A_184 = arith.cmpi slt, %jit3A_171, %sign3A_183 : i32
      %sign3A_185 = arith.extui %sign3A_184 : i1 to i32
      %sign3A_186 = arith.subi %sign3A_182, %sign3A_185 : i32
      %ne3A_187 = arith.cmpi ne, %sign3A_179, %sign3A_186 : i32
      %rem3A_188 = arith.remsi %min3A, %jit3A_171 : i32
      %ne3A_189 = arith.constant 0 : i32
      %ne3A_190 = arith.cmpi ne, %rem3A_188, %ne3A_189 : i32
      %and3A_191 = arith.andi %ne3A_187, %ne3A_190 : i1
      %sub3A_192 = arith.constant 1 : i32
      %sub3A_193 = arith.subi %div3A_172, %sub3A_192 : i32
      %select_n3A_194 = arith.select %and3A_191, %sub3A_193, %div3A_172 : i32
      %lt3A = arith.cmpi slt, %add3A_170, %select_n3A_194 : i32
      %convert_element_type3A_195 = arith.extui %lt3A : i1 to i32
      %cond3A_196 = arith.constant 0 : i32
      %cond3A_197 = arith.cmpi ne, %convert_element_type3A_195, %cond3A_196 : i32
      scf.if %cond3A_197 {
        %add3A_198 = arith.constant 1 : i32
        %add3A_199 = arith.addi %add3A_150, %add3A_198 : i32
        %dma_start3A_200 = arith.constant 0 : i32
        %dma_start3A_201 = tpu.memref_slice %arg6[%add3A_199, %dma_start3A_200] : memref<48x128xi32, #tpu.memory_space<vmem>> -> memref<1x128xi32, #tpu.memory_space<vmem>>
        %dma_start3A_202 = tpu.memref_squeeze %dma_start3A_201 : memref<1x128xi32, #tpu.memory_space<vmem>> -> memref<128xi32, #tpu.memory_space<vmem>>
        %dma_start3A_203 = arith.constant 0 : i32
        %dma_start3A_204 = arith.constant 0 : i32
        %dma_start3A_205 = tpu.memref_slice %arg2[%dma_start3A_203, %dma_start3A_204] : memref<10000x128xf32, #tpu.memory_space<hbm>> -> memref<10000x128xf32, #tpu.memory_space<hbm>>
        tpu.enqueue_indirect_dma source(%dma_start3A_205 : memref<10000x128xf32, #tpu.memory_space<hbm>>) target(%arg8 : memref<128x128xf32, #tpu.memory_space<vmem>>) offsets(%dma_start3A_202 : memref<128xi32, #tpu.memory_space<vmem>>) semaphore(%arg11 : memref<!tpu.dma_semaphore, #tpu.memory_space<semaphore_mem>>)
      } else {
      }
    }
    %gt3A_54 = arith.constant 0 : i32
    %gt3A_55 = arith.cmpi sgt, %min3A, %gt3A_54 : i32
    %convert_element_type3A_56 = arith.extui %gt3A_55 : i1 to i32
    %cond3A_57 = arith.constant 0 : i32
    %cond3A_58 = arith.cmpi ne, %convert_element_type3A_56, %cond3A_57 : i32
    scf.if %cond3A_58 {
      %dma_wait3A = arith.constant 0 : i32
      %dma_wait3A_120 = arith.constant 0 : i32
      %dma_wait3A_121 = tpu.memref_slice %arg10[%dma_wait3A, %dma_wait3A_120] : memref<10112x128xf32, #tpu.memory_space<vmem_shared>> -> memref<128x128xf32, #tpu.memory_space<vmem_shared>>
      %dma_wait3A_122 = arith.constant 0 : i32
      %dma_wait3A_123 = arith.constant 0 : i32
      %dma_wait3A_124 = tpu.memref_slice %arg10[%dma_wait3A_122, %dma_wait3A_123] : memref<10112x128xf32, #tpu.memory_space<vmem_shared>> -> memref<128x128xf32, #tpu.memory_space<vmem_shared>>
      tpu.wait_dma2 semaphore(%arg14 : memref<!tpu.dma_semaphore, #tpu.memory_space<semaphore_mem>>) src(%arg9 : memref<128x128xf32, #tpu.memory_space<vmem>>) dst(%dma_wait3A_124 : memref<128x128xf32, #tpu.memory_space<vmem_shared>>)
    } else {
    }
    %sub3A_59 = arith.constant 48 : i32
    %sub3A_60 = arith.subi %select_n3A, %sub3A_59 : i32
    %jit3A_61 = arith.constant 0 : i32
    %jit3A_62 = arith.constant 48 : i32
    %max3A_63 = arith.maxsi %jit3A_61, %sub3A_60 : i32
    %min3A_64 = arith.minsi %jit3A_62, %max3A_63 : i32
    "tpu.region"() ({
      %run_scoped3A = tpu.sem_alloc : memref<!tpu.dma_semaphore, #tpu.memory_space<semaphore_mem>>
      %dma_start3A = arith.constant 0 : i32
      %dma_start3A_120 = arith.constant 0 : i32
      %dma_start3A_121 = tpu.memref_slice %arg3[%add3A, %dma_start3A, %dma_start3A_120] : memref<32x96x128xi32, #tpu.memory_space<hbm>> -> memref<1x96x128xi32, #tpu.memory_space<hbm>>
      %dma_start3A_122 = tpu.memref_squeeze %dma_start3A_121 : memref<1x96x128xi32, #tpu.memory_space<hbm>> -> memref<96x128xi32, #tpu.memory_space<hbm>>
      %dma_start3A_123 = arith.constant 48 : i32
      %dma_start3A_124 = arith.constant 0 : i32
      %dma_start3A_125 = tpu.memref_slice %dma_start3A_122[%dma_start3A_123, %dma_start3A_124] : memref<96x128xi32, #tpu.memory_space<hbm>> -> memref<48x128xi32, #tpu.memory_space<hbm>>
      %dma_start3A_126 = arith.constant 0 : i32
      %dma_start3A_127 = arith.constant 0 : i32
      %dma_start3A_128 = tpu.memref_slice %arg3[%add3A, %dma_start3A_126, %dma_start3A_127] : memref<32x96x128xi32, #tpu.memory_space<hbm>> -> memref<1x96x128xi32, #tpu.memory_space<hbm>>
      %dma_start3A_129 = tpu.memref_squeeze %dma_start3A_128 : memref<1x96x128xi32, #tpu.memory_space<hbm>> -> memref<96x128xi32, #tpu.memory_space<hbm>>
      %dma_start3A_130 = arith.constant 48 : i32
      %dma_start3A_131 = arith.constant 0 : i32
      %dma_start3A_132 = tpu.memref_slice %dma_start3A_129[%dma_start3A_130, %dma_start3A_131] : memref<96x128xi32, #tpu.memory_space<hbm>> -> memref<48x128xi32, #tpu.memory_space<hbm>>
      tpu.enqueue_dma source(%dma_start3A_132 : memref<48x128xi32, #tpu.memory_space<hbm>>) target(%arg6 : memref<48x128xi32, #tpu.memory_space<vmem>>) target_semaphore(%run_scoped3A : memref<!tpu.dma_semaphore, #tpu.memory_space<semaphore_mem>>)
      %dma_wait3A = arith.constant 0 : i32
      %dma_wait3A_133 = arith.constant 0 : i32
      %dma_wait3A_134 = tpu.memref_slice %arg3[%add3A, %dma_wait3A, %dma_wait3A_133] : memref<32x96x128xi32, #tpu.memory_space<hbm>> -> memref<1x96x128xi32, #tpu.memory_space<hbm>>
      %dma_wait3A_135 = tpu.memref_squeeze %dma_wait3A_134 : memref<1x96x128xi32, #tpu.memory_space<hbm>> -> memref<96x128xi32, #tpu.memory_space<hbm>>
      %dma_wait3A_136 = arith.constant 48 : i32
      %dma_wait3A_137 = arith.constant 0 : i32
      %dma_wait3A_138 = tpu.memref_slice %dma_wait3A_135[%dma_wait3A_136, %dma_wait3A_137] : memref<96x128xi32, #tpu.memory_space<hbm>> -> memref<48x128xi32, #tpu.memory_space<hbm>>
      %dma_wait3A_139 = arith.constant 0 : i32
      %dma_wait3A_140 = arith.constant 0 : i32
      %dma_wait3A_141 = tpu.memref_slice %arg3[%add3A, %dma_wait3A_139, %dma_wait3A_140] : memref<32x96x128xi32, #tpu.memory_space<hbm>> -> memref<1x96x128xi32, #tpu.memory_space<hbm>>
      %dma_wait3A_142 = tpu.memref_squeeze %dma_wait3A_141 : memref<1x96x128xi32, #tpu.memory_space<hbm>> -> memref<96x128xi32, #tpu.memory_space<hbm>>
      %dma_wait3A_143 = arith.constant 48 : i32
      %dma_wait3A_144 = arith.constant 0 : i32
      %dma_wait3A_145 = tpu.memref_slice %dma_wait3A_142[%dma_wait3A_143, %dma_wait3A_144] : memref<96x128xi32, #tpu.memory_space<hbm>> -> memref<48x128xi32, #tpu.memory_space<hbm>>
      tpu.wait_dma2 semaphore(%run_scoped3A : memref<!tpu.dma_semaphore, #tpu.memory_space<semaphore_mem>>) src(%dma_wait3A_145 : memref<48x128xi32, #tpu.memory_space<hbm>>) dst(%arg6 : memref<48x128xi32, #tpu.memory_space<vmem>>)
      tpu.yield
    }) : () -> ()
    "tpu.region"() ({
      %run_scoped3A = tpu.sem_alloc : memref<!tpu.dma_semaphore, #tpu.memory_space<semaphore_mem>>
      %dma_start3A = arith.constant 0 : i32
      %dma_start3A_120 = arith.constant 0 : i32
      %dma_start3A_121 = tpu.memref_slice %arg4[%add3A, %dma_start3A, %dma_start3A_120] : memref<32x96x128xi32, #tpu.memory_space<hbm>> -> memref<1x96x128xi32, #tpu.memory_space<hbm>>
      %dma_start3A_122 = tpu.memref_squeeze %dma_start3A_121 : memref<1x96x128xi32, #tpu.memory_space<hbm>> -> memref<96x128xi32, #tpu.memory_space<hbm>>
      %dma_start3A_123 = arith.constant 48 : i32
      %dma_start3A_124 = arith.constant 0 : i32
      %dma_start3A_125 = tpu.memref_slice %dma_start3A_122[%dma_start3A_123, %dma_start3A_124] : memref<96x128xi32, #tpu.memory_space<hbm>> -> memref<48x128xi32, #tpu.memory_space<hbm>>
      %dma_start3A_126 = arith.constant 0 : i32
      %dma_start3A_127 = arith.constant 0 : i32
      %dma_start3A_128 = tpu.memref_slice %arg4[%add3A, %dma_start3A_126, %dma_start3A_127] : memref<32x96x128xi32, #tpu.memory_space<hbm>> -> memref<1x96x128xi32, #tpu.memory_space<hbm>>
      %dma_start3A_129 = tpu.memref_squeeze %dma_start3A_128 : memref<1x96x128xi32, #tpu.memory_space<hbm>> -> memref<96x128xi32, #tpu.memory_space<hbm>>
      %dma_start3A_130 = arith.constant 48 : i32
      %dma_start3A_131 = arith.constant 0 : i32
      %dma_start3A_132 = tpu.memref_slice %dma_start3A_129[%dma_start3A_130, %dma_start3A_131] : memref<96x128xi32, #tpu.memory_space<hbm>> -> memref<48x128xi32, #tpu.memory_space<hbm>>
      tpu.enqueue_dma source(%dma_start3A_132 : memref<48x128xi32, #tpu.memory_space<hbm>>) target(%arg7 : memref<48x128xi32, #tpu.memory_space<vmem>>) target_semaphore(%run_scoped3A : memref<!tpu.dma_semaphore, #tpu.memory_space<semaphore_mem>>)
      %dma_wait3A = arith.constant 0 : i32
      %dma_wait3A_133 = arith.constant 0 : i32
      %dma_wait3A_134 = tpu.memref_slice %arg4[%add3A, %dma_wait3A, %dma_wait3A_133] : memref<32x96x128xi32, #tpu.memory_space<hbm>> -> memref<1x96x128xi32, #tpu.memory_space<hbm>>
      %dma_wait3A_135 = tpu.memref_squeeze %dma_wait3A_134 : memref<1x96x128xi32, #tpu.memory_space<hbm>> -> memref<96x128xi32, #tpu.memory_space<hbm>>
      %dma_wait3A_136 = arith.constant 48 : i32
      %dma_wait3A_137 = arith.constant 0 : i32
      %dma_wait3A_138 = tpu.memref_slice %dma_wait3A_135[%dma_wait3A_136, %dma_wait3A_137] : memref<96x128xi32, #tpu.memory_space<hbm>> -> memref<48x128xi32, #tpu.memory_space<hbm>>
      %dma_wait3A_139 = arith.constant 0 : i32
      %dma_wait3A_140 = arith.constant 0 : i32
      %dma_wait3A_141 = tpu.memref_slice %arg4[%add3A, %dma_wait3A_139, %dma_wait3A_140] : memref<32x96x128xi32, #tpu.memory_space<hbm>> -> memref<1x96x128xi32, #tpu.memory_space<hbm>>
      %dma_wait3A_142 = tpu.memref_squeeze %dma_wait3A_141 : memref<1x96x128xi32, #tpu.memory_space<hbm>> -> memref<96x128xi32, #tpu.memory_space<hbm>>
      %dma_wait3A_143 = arith.constant 48 : i32
      %dma_wait3A_144 = arith.constant 0 : i32
      %dma_wait3A_145 = tpu.memref_slice %dma_wait3A_142[%dma_wait3A_143, %dma_wait3A_144] : memref<96x128xi32, #tpu.memory_space<hbm>> -> memref<48x128xi32, #tpu.memory_space<hbm>>
      tpu.wait_dma2 semaphore(%run_scoped3A : memref<!tpu.dma_semaphore, #tpu.memory_space<semaphore_mem>>) src(%dma_wait3A_145 : memref<48x128xi32, #tpu.memory_space<hbm>>) dst(%arg7 : memref<48x128xi32, #tpu.memory_space<vmem>>)
      tpu.yield
    }) : () -> ()
    %gt3A_65 = arith.constant 0 : i32
    %gt3A_66 = arith.cmpi sgt, %min3A_64, %gt3A_65 : i32
    %convert_element_type3A_67 = arith.extui %gt3A_66 : i1 to i32
    %cond3A_68 = arith.constant 0 : i32
    %cond3A_69 = arith.cmpi ne, %convert_element_type3A_67, %cond3A_68 : i32
    scf.if %cond3A_69 {
      %dma_start3A = arith.constant 0 : i32
      %dma_start3A_120 = arith.constant 0 : i32
      %dma_start3A_121 = tpu.memref_slice %arg6[%dma_start3A, %dma_start3A_120] : memref<48x128xi32, #tpu.memory_space<vmem>> -> memref<1x128xi32, #tpu.memory_space<vmem>>
      %dma_start3A_122 = tpu.memref_squeeze %dma_start3A_121 : memref<1x128xi32, #tpu.memory_space<vmem>> -> memref<128xi32, #tpu.memory_space<vmem>>
      %dma_start3A_123 = arith.constant 0 : i32
      %dma_start3A_124 = arith.constant 0 : i32
      %dma_start3A_125 = tpu.memref_slice %arg2[%dma_start3A_123, %dma_start3A_124] : memref<10000x128xf32, #tpu.memory_space<hbm>> -> memref<10000x128xf32, #tpu.memory_space<hbm>>
      tpu.enqueue_indirect_dma source(%dma_start3A_125 : memref<10000x128xf32, #tpu.memory_space<hbm>>) target(%arg8 : memref<128x128xf32, #tpu.memory_space<vmem>>) offsets(%dma_start3A_122 : memref<128xi32, #tpu.memory_space<vmem>>) semaphore(%arg11 : memref<!tpu.dma_semaphore, #tpu.memory_space<semaphore_mem>>)
    } else {
    }
    %jit3A_70 = arith.constant 2 : i32
    %div3A_71 = arith.divsi %min3A_64, %jit3A_70 : i32
    %sign3A_72 = arith.constant 0 : i32
    %sign3A_73 = arith.cmpi sgt, %min3A_64, %sign3A_72 : i32
    %sign3A_74 = arith.extui %sign3A_73 : i1 to i32
    %sign3A_75 = arith.constant 0 : i32
    %sign3A_76 = arith.cmpi slt, %min3A_64, %sign3A_75 : i32
    %sign3A_77 = arith.extui %sign3A_76 : i1 to i32
    %sign3A_78 = arith.subi %sign3A_74, %sign3A_77 : i32
    %sign3A_79 = arith.constant 0 : i32
    %sign3A_80 = arith.cmpi sgt, %jit3A_70, %sign3A_79 : i32
    %sign3A_81 = arith.extui %sign3A_80 : i1 to i32
    %sign3A_82 = arith.constant 0 : i32
    %sign3A_83 = arith.cmpi slt, %jit3A_70, %sign3A_82 : i32
    %sign3A_84 = arith.extui %sign3A_83 : i1 to i32
    %sign3A_85 = arith.subi %sign3A_81, %sign3A_84 : i32
    %ne3A_86 = arith.cmpi ne, %sign3A_78, %sign3A_85 : i32
    %rem3A_87 = arith.remsi %min3A_64, %jit3A_70 : i32
    %ne3A_88 = arith.constant 0 : i32
    %ne3A_89 = arith.cmpi ne, %rem3A_87, %ne3A_88 : i32
    %and3A_90 = arith.andi %ne3A_86, %ne3A_89 : i1
    %sub3A_91 = arith.constant 1 : i32
    %sub3A_92 = arith.subi %div3A_71, %sub3A_91 : i32
    %select_n3A_93 = arith.select %and3A_90, %sub3A_92, %div3A_71 : i32
    %while3A_94 = arith.constant 0 : i32
    %while3A_95 = arith.constant 0 : i32
    %while3A_96 = arith.subi %select_n3A_93, %while3A_95 : i32
    %while3A_97 = arith.addi %while3A_95, %while3A_96 : i32
    %while3A_98 = arith.constant 1 : i32
    %while3A_99 = arith.divsi %while3A_96, %while3A_98 : i32
    %while3A_100 = arith.muli %while3A_99, %while3A_98 : i32
    %while3A_101 = arith.addi %while3A_95, %while3A_100 : i32
    %while3A_102 = arith.constant 1 : i32
    scf.for %while3A_120 = %while3A_95 to %while3A_101 step %while3A_102  : i32 {
      %mul3A_121 = arith.constant 2 : i32
      %mul3A_122 = arith.muli %while3A_120, %mul3A_121 : i32
      %add3A_123 = arith.constant 0 : i32
      %add3A_124 = arith.addi %mul3A_122, %add3A_123 : i32
      %dma_wait3A = arith.constant 0 : i32
      %dma_wait3A_125 = arith.constant 0 : i32
      %dma_wait3A_126 = tpu.memref_slice %arg2[%dma_wait3A, %dma_wait3A_125] : memref<10000x128xf32, #tpu.memory_space<hbm>> -> memref<128x128xf32, #tpu.memory_space<hbm>>
      %dma_wait3A_127 = arith.constant 0 : i32
      %dma_wait3A_128 = arith.constant 0 : i32
      %dma_wait3A_129 = tpu.memref_slice %arg2[%dma_wait3A_127, %dma_wait3A_128] : memref<10000x128xf32, #tpu.memory_space<hbm>> -> memref<128x128xf32, #tpu.memory_space<hbm>>
      tpu.wait_dma2 semaphore(%arg11 : memref<!tpu.dma_semaphore, #tpu.memory_space<semaphore_mem>>) src(%dma_wait3A_129 : memref<128x128xf32, #tpu.memory_space<hbm>>) dst(%arg8 : memref<128x128xf32, #tpu.memory_space<vmem>>)
      %dma_start3A = arith.constant 0 : i32
      %dma_start3A_130 = tpu.memref_slice %arg7[%add3A_124, %dma_start3A] : memref<48x128xi32, #tpu.memory_space<vmem>> -> memref<1x128xi32, #tpu.memory_space<vmem>>
      %dma_start3A_131 = tpu.memref_squeeze %dma_start3A_130 : memref<1x128xi32, #tpu.memory_space<vmem>> -> memref<128xi32, #tpu.memory_space<vmem>>
      %dma_start3A_132 = arith.constant 0 : i32
      %dma_start3A_133 = arith.constant 0 : i32
      %dma_start3A_134 = tpu.memref_slice %arg10[%dma_start3A_132, %dma_start3A_133] : memref<10112x128xf32, #tpu.memory_space<vmem_shared>> -> memref<10112x128xf32, #tpu.memory_space<vmem_shared>>
      tpu.enqueue_indirect_dma source(%arg8 : memref<128x128xf32, #tpu.memory_space<vmem>>) target(%dma_start3A_134 : memref<10112x128xf32, #tpu.memory_space<vmem_shared>>) offsets(%dma_start3A_131 : memref<128xi32, #tpu.memory_space<vmem>>) semaphore(%arg13 : memref<!tpu.dma_semaphore, #tpu.memory_space<semaphore_mem>>) {add = true}
      %ge3A = arith.constant 1 : i32
      %ge3A_135 = arith.cmpi sge, %while3A_120, %ge3A : i32
      %convert_element_type3A_136 = arith.extui %ge3A_135 : i1 to i32
      %cond3A_137 = arith.constant 0 : i32
      %cond3A_138 = arith.cmpi ne, %convert_element_type3A_136, %cond3A_137 : i32
      scf.if %cond3A_138 {
        %dma_wait3A_198 = arith.constant 0 : i32
        %dma_wait3A_199 = arith.constant 0 : i32
        %dma_wait3A_200 = tpu.memref_slice %arg10[%dma_wait3A_198, %dma_wait3A_199] : memref<10112x128xf32, #tpu.memory_space<vmem_shared>> -> memref<128x128xf32, #tpu.memory_space<vmem_shared>>
        %dma_wait3A_201 = arith.constant 0 : i32
        %dma_wait3A_202 = arith.constant 0 : i32
        %dma_wait3A_203 = tpu.memref_slice %arg10[%dma_wait3A_201, %dma_wait3A_202] : memref<10112x128xf32, #tpu.memory_space<vmem_shared>> -> memref<128x128xf32, #tpu.memory_space<vmem_shared>>
        tpu.wait_dma2 semaphore(%arg14 : memref<!tpu.dma_semaphore, #tpu.memory_space<semaphore_mem>>) src(%arg9 : memref<128x128xf32, #tpu.memory_space<vmem>>) dst(%dma_wait3A_203 : memref<128x128xf32, #tpu.memory_space<vmem_shared>>)
      } else {
      }
      %add3A_139 = arith.constant 1 : i32
      %add3A_140 = arith.addi %add3A_124, %add3A_139 : i32
      %dma_start3A_141 = arith.constant 0 : i32
      %dma_start3A_142 = tpu.memref_slice %arg6[%add3A_140, %dma_start3A_141] : memref<48x128xi32, #tpu.memory_space<vmem>> -> memref<1x128xi32, #tpu.memory_space<vmem>>
      %dma_start3A_143 = tpu.memref_squeeze %dma_start3A_142 : memref<1x128xi32, #tpu.memory_space<vmem>> -> memref<128xi32, #tpu.memory_space<vmem>>
      %dma_start3A_144 = arith.constant 0 : i32
      %dma_start3A_145 = arith.constant 0 : i32
      %dma_start3A_146 = tpu.memref_slice %arg2[%dma_start3A_144, %dma_start3A_145] : memref<10000x128xf32, #tpu.memory_space<hbm>> -> memref<10000x128xf32, #tpu.memory_space<hbm>>
      tpu.enqueue_indirect_dma source(%dma_start3A_146 : memref<10000x128xf32, #tpu.memory_space<hbm>>) target(%arg9 : memref<128x128xf32, #tpu.memory_space<vmem>>) offsets(%dma_start3A_143 : memref<128xi32, #tpu.memory_space<vmem>>) semaphore(%arg12 : memref<!tpu.dma_semaphore, #tpu.memory_space<semaphore_mem>>)
      %mul3A_147 = arith.constant 2 : i32
      %mul3A_148 = arith.muli %while3A_120, %mul3A_147 : i32
      %add3A_149 = arith.constant 1 : i32
      %add3A_150 = arith.addi %mul3A_148, %add3A_149 : i32
      %dma_wait3A_151 = arith.constant 0 : i32
      %dma_wait3A_152 = arith.constant 0 : i32
      %dma_wait3A_153 = tpu.memref_slice %arg2[%dma_wait3A_151, %dma_wait3A_152] : memref<10000x128xf32, #tpu.memory_space<hbm>> -> memref<128x128xf32, #tpu.memory_space<hbm>>
      %dma_wait3A_154 = arith.constant 0 : i32
      %dma_wait3A_155 = arith.constant 0 : i32
      %dma_wait3A_156 = tpu.memref_slice %arg2[%dma_wait3A_154, %dma_wait3A_155] : memref<10000x128xf32, #tpu.memory_space<hbm>> -> memref<128x128xf32, #tpu.memory_space<hbm>>
      tpu.wait_dma2 semaphore(%arg12 : memref<!tpu.dma_semaphore, #tpu.memory_space<semaphore_mem>>) src(%dma_wait3A_156 : memref<128x128xf32, #tpu.memory_space<hbm>>) dst(%arg9 : memref<128x128xf32, #tpu.memory_space<vmem>>)
      %dma_start3A_157 = arith.constant 0 : i32
      %dma_start3A_158 = tpu.memref_slice %arg7[%add3A_150, %dma_start3A_157] : memref<48x128xi32, #tpu.memory_space<vmem>> -> memref<1x128xi32, #tpu.memory_space<vmem>>
      %dma_start3A_159 = tpu.memref_squeeze %dma_start3A_158 : memref<1x128xi32, #tpu.memory_space<vmem>> -> memref<128xi32, #tpu.memory_space<vmem>>
      %dma_start3A_160 = arith.constant 0 : i32
      %dma_start3A_161 = arith.constant 0 : i32
      %dma_start3A_162 = tpu.memref_slice %arg10[%dma_start3A_160, %dma_start3A_161] : memref<10112x128xf32, #tpu.memory_space<vmem_shared>> -> memref<10112x128xf32, #tpu.memory_space<vmem_shared>>
      tpu.enqueue_indirect_dma source(%arg9 : memref<128x128xf32, #tpu.memory_space<vmem>>) target(%dma_start3A_162 : memref<10112x128xf32, #tpu.memory_space<vmem_shared>>) offsets(%dma_start3A_159 : memref<128xi32, #tpu.memory_space<vmem>>) semaphore(%arg14 : memref<!tpu.dma_semaphore, #tpu.memory_space<semaphore_mem>>) {add = true}
      %dma_wait3A_163 = arith.constant 0 : i32
      %dma_wait3A_164 = arith.constant 0 : i32
      %dma_wait3A_165 = tpu.memref_slice %arg10[%dma_wait3A_163, %dma_wait3A_164] : memref<10112x128xf32, #tpu.memory_space<vmem_shared>> -> memref<128x128xf32, #tpu.memory_space<vmem_shared>>
      %dma_wait3A_166 = arith.constant 0 : i32
      %dma_wait3A_167 = arith.constant 0 : i32
      %dma_wait3A_168 = tpu.memref_slice %arg10[%dma_wait3A_166, %dma_wait3A_167] : memref<10112x128xf32, #tpu.memory_space<vmem_shared>> -> memref<128x128xf32, #tpu.memory_space<vmem_shared>>
      tpu.wait_dma2 semaphore(%arg13 : memref<!tpu.dma_semaphore, #tpu.memory_space<semaphore_mem>>) src(%arg8 : memref<128x128xf32, #tpu.memory_space<vmem>>) dst(%dma_wait3A_168 : memref<128x128xf32, #tpu.memory_space<vmem_shared>>)
      %add3A_169 = arith.constant 1 : i32
      %add3A_170 = arith.addi %while3A_120, %add3A_169 : i32
      %jit3A_171 = arith.constant 2 : i32
      %div3A_172 = arith.divsi %min3A_64, %jit3A_171 : i32
      %sign3A_173 = arith.constant 0 : i32
      %sign3A_174 = arith.cmpi sgt, %min3A_64, %sign3A_173 : i32
      %sign3A_175 = arith.extui %sign3A_174 : i1 to i32
      %sign3A_176 = arith.constant 0 : i32
      %sign3A_177 = arith.cmpi slt, %min3A_64, %sign3A_176 : i32
      %sign3A_178 = arith.extui %sign3A_177 : i1 to i32
      %sign3A_179 = arith.subi %sign3A_175, %sign3A_178 : i32
      %sign3A_180 = arith.constant 0 : i32
      %sign3A_181 = arith.cmpi sgt, %jit3A_171, %sign3A_180 : i32
      %sign3A_182 = arith.extui %sign3A_181 : i1 to i32
      %sign3A_183 = arith.constant 0 : i32
      %sign3A_184 = arith.cmpi slt, %jit3A_171, %sign3A_183 : i32
      %sign3A_185 = arith.extui %sign3A_184 : i1 to i32
      %sign3A_186 = arith.subi %sign3A_182, %sign3A_185 : i32
      %ne3A_187 = arith.cmpi ne, %sign3A_179, %sign3A_186 : i32
      %rem3A_188 = arith.remsi %min3A_64, %jit3A_171 : i32
      %ne3A_189 = arith.constant 0 : i32
      %ne3A_190 = arith.cmpi ne, %rem3A_188, %ne3A_189 : i32
      %and3A_191 = arith.andi %ne3A_187, %ne3A_190 : i1
      %sub3A_192 = arith.constant 1 : i32
      %sub3A_193 = arith.subi %div3A_172, %sub3A_192 : i32
      %select_n3A_194 = arith.select %and3A_191, %sub3A_193, %div3A_172 : i32
      %lt3A = arith.cmpi slt, %add3A_170, %select_n3A_194 : i32
      %convert_element_type3A_195 = arith.extui %lt3A : i1 to i32
      %cond3A_196 = arith.constant 0 : i32
      %cond3A_197 = arith.cmpi ne, %convert_element_type3A_195, %cond3A_196 : i32
      scf.if %cond3A_197 {
        %add3A_198 = arith.constant 1 : i32
        %add3A_199 = arith.addi %add3A_150, %add3A_198 : i32
        %dma_start3A_200 = arith.constant 0 : i32
        %dma_start3A_201 = tpu.memref_slice %arg6[%add3A_199, %dma_start3A_200] : memref<48x128xi32, #tpu.memory_space<vmem>> -> memref<1x128xi32, #tpu.memory_space<vmem>>
        %dma_start3A_202 = tpu.memref_squeeze %dma_start3A_201 : memref<1x128xi32, #tpu.memory_space<vmem>> -> memref<128xi32, #tpu.memory_space<vmem>>
        %dma_start3A_203 = arith.constant 0 : i32
        %dma_start3A_204 = arith.constant 0 : i32
        %dma_start3A_205 = tpu.memref_slice %arg2[%dma_start3A_203, %dma_start3A_204] : memref<10000x128xf32, #tpu.memory_space<hbm>> -> memref<10000x128xf32, #tpu.memory_space<hbm>>
        tpu.enqueue_indirect_dma source(%dma_start3A_205 : memref<10000x128xf32, #tpu.memory_space<hbm>>) target(%arg8 : memref<128x128xf32, #tpu.memory_space<vmem>>) offsets(%dma_start3A_202 : memref<128xi32, #tpu.memory_space<vmem>>) semaphore(%arg11 : memref<!tpu.dma_semaphore, #tpu.memory_space<semaphore_mem>>)
      } else {
      }
    }
    %while3A_103 = arith.constant 1 : i32
    scf.for %while3A_120 = %while3A_101 to %while3A_97 step %while3A_103  : i32 {
      %mul3A_121 = arith.constant 2 : i32
      %mul3A_122 = arith.muli %while3A_120, %mul3A_121 : i32
      %add3A_123 = arith.constant 0 : i32
      %add3A_124 = arith.addi %mul3A_122, %add3A_123 : i32
      %dma_wait3A = arith.constant 0 : i32
      %dma_wait3A_125 = arith.constant 0 : i32
      %dma_wait3A_126 = tpu.memref_slice %arg2[%dma_wait3A, %dma_wait3A_125] : memref<10000x128xf32, #tpu.memory_space<hbm>> -> memref<128x128xf32, #tpu.memory_space<hbm>>
      %dma_wait3A_127 = arith.constant 0 : i32
      %dma_wait3A_128 = arith.constant 0 : i32
      %dma_wait3A_129 = tpu.memref_slice %arg2[%dma_wait3A_127, %dma_wait3A_128] : memref<10000x128xf32, #tpu.memory_space<hbm>> -> memref<128x128xf32, #tpu.memory_space<hbm>>
      tpu.wait_dma2 semaphore(%arg11 : memref<!tpu.dma_semaphore, #tpu.memory_space<semaphore_mem>>) src(%dma_wait3A_129 : memref<128x128xf32, #tpu.memory_space<hbm>>) dst(%arg8 : memref<128x128xf32, #tpu.memory_space<vmem>>)
      %dma_start3A = arith.constant 0 : i32
      %dma_start3A_130 = tpu.memref_slice %arg7[%add3A_124, %dma_start3A] : memref<48x128xi32, #tpu.memory_space<vmem>> -> memref<1x128xi32, #tpu.memory_space<vmem>>
      %dma_start3A_131 = tpu.memref_squeeze %dma_start3A_130 : memref<1x128xi32, #tpu.memory_space<vmem>> -> memref<128xi32, #tpu.memory_space<vmem>>
      %dma_start3A_132 = arith.constant 0 : i32
      %dma_start3A_133 = arith.constant 0 : i32
      %dma_start3A_134 = tpu.memref_slice %arg10[%dma_start3A_132, %dma_start3A_133] : memref<10112x128xf32, #tpu.memory_space<vmem_shared>> -> memref<10112x128xf32, #tpu.memory_space<vmem_shared>>
      tpu.enqueue_indirect_dma source(%arg8 : memref<128x128xf32, #tpu.memory_space<vmem>>) target(%dma_start3A_134 : memref<10112x128xf32, #tpu.memory_space<vmem_shared>>) offsets(%dma_start3A_131 : memref<128xi32, #tpu.memory_space<vmem>>) semaphore(%arg13 : memref<!tpu.dma_semaphore, #tpu.memory_space<semaphore_mem>>) {add = true}
      %ge3A = arith.constant 1 : i32
      %ge3A_135 = arith.cmpi sge, %while3A_120, %ge3A : i32
      %convert_element_type3A_136 = arith.extui %ge3A_135 : i1 to i32
      %cond3A_137 = arith.constant 0 : i32
      %cond3A_138 = arith.cmpi ne, %convert_element_type3A_136, %cond3A_137 : i32
      scf.if %cond3A_138 {
        %dma_wait3A_198 = arith.constant 0 : i32
        %dma_wait3A_199 = arith.constant 0 : i32
        %dma_wait3A_200 = tpu.memref_slice %arg10[%dma_wait3A_198, %dma_wait3A_199] : memref<10112x128xf32, #tpu.memory_space<vmem_shared>> -> memref<128x128xf32, #tpu.memory_space<vmem_shared>>
        %dma_wait3A_201 = arith.constant 0 : i32
        %dma_wait3A_202 = arith.constant 0 : i32
        %dma_wait3A_203 = tpu.memref_slice %arg10[%dma_wait3A_201, %dma_wait3A_202] : memref<10112x128xf32, #tpu.memory_space<vmem_shared>> -> memref<128x128xf32, #tpu.memory_space<vmem_shared>>
        tpu.wait_dma2 semaphore(%arg14 : memref<!tpu.dma_semaphore, #tpu.memory_space<semaphore_mem>>) src(%arg9 : memref<128x128xf32, #tpu.memory_space<vmem>>) dst(%dma_wait3A_203 : memref<128x128xf32, #tpu.memory_space<vmem_shared>>)
      } else {
      }
      %add3A_139 = arith.constant 1 : i32
      %add3A_140 = arith.addi %add3A_124, %add3A_139 : i32
      %dma_start3A_141 = arith.constant 0 : i32
      %dma_start3A_142 = tpu.memref_slice %arg6[%add3A_140, %dma_start3A_141] : memref<48x128xi32, #tpu.memory_space<vmem>> -> memref<1x128xi32, #tpu.memory_space<vmem>>
      %dma_start3A_143 = tpu.memref_squeeze %dma_start3A_142 : memref<1x128xi32, #tpu.memory_space<vmem>> -> memref<128xi32, #tpu.memory_space<vmem>>
      %dma_start3A_144 = arith.constant 0 : i32
      %dma_start3A_145 = arith.constant 0 : i32
      %dma_start3A_146 = tpu.memref_slice %arg2[%dma_start3A_144, %dma_start3A_145] : memref<10000x128xf32, #tpu.memory_space<hbm>> -> memref<10000x128xf32, #tpu.memory_space<hbm>>
      tpu.enqueue_indirect_dma source(%dma_start3A_146 : memref<10000x128xf32, #tpu.memory_space<hbm>>) target(%arg9 : memref<128x128xf32, #tpu.memory_space<vmem>>) offsets(%dma_start3A_143 : memref<128xi32, #tpu.memory_space<vmem>>) semaphore(%arg12 : memref<!tpu.dma_semaphore, #tpu.memory_space<semaphore_mem>>)
      %mul3A_147 = arith.constant 2 : i32
      %mul3A_148 = arith.muli %while3A_120, %mul3A_147 : i32
      %add3A_149 = arith.constant 1 : i32
      %add3A_150 = arith.addi %mul3A_148, %add3A_149 : i32
      %dma_wait3A_151 = arith.constant 0 : i32
      %dma_wait3A_152 = arith.constant 0 : i32
      %dma_wait3A_153 = tpu.memref_slice %arg2[%dma_wait3A_151, %dma_wait3A_152] : memref<10000x128xf32, #tpu.memory_space<hbm>> -> memref<128x128xf32, #tpu.memory_space<hbm>>
      %dma_wait3A_154 = arith.constant 0 : i32
      %dma_wait3A_155 = arith.constant 0 : i32
      %dma_wait3A_156 = tpu.memref_slice %arg2[%dma_wait3A_154, %dma_wait3A_155] : memref<10000x128xf32, #tpu.memory_space<hbm>> -> memref<128x128xf32, #tpu.memory_space<hbm>>
      tpu.wait_dma2 semaphore(%arg12 : memref<!tpu.dma_semaphore, #tpu.memory_space<semaphore_mem>>) src(%dma_wait3A_156 : memref<128x128xf32, #tpu.memory_space<hbm>>) dst(%arg9 : memref<128x128xf32, #tpu.memory_space<vmem>>)
      %dma_start3A_157 = arith.constant 0 : i32
      %dma_start3A_158 = tpu.memref_slice %arg7[%add3A_150, %dma_start3A_157] : memref<48x128xi32, #tpu.memory_space<vmem>> -> memref<1x128xi32, #tpu.memory_space<vmem>>
      %dma_start3A_159 = tpu.memref_squeeze %dma_start3A_158 : memref<1x128xi32, #tpu.memory_space<vmem>> -> memref<128xi32, #tpu.memory_space<vmem>>
      %dma_start3A_160 = arith.constant 0 : i32
      %dma_start3A_161 = arith.constant 0 : i32
      %dma_start3A_162 = tpu.memref_slice %arg10[%dma_start3A_160, %dma_start3A_161] : memref<10112x128xf32, #tpu.memory_space<vmem_shared>> -> memref<10112x128xf32, #tpu.memory_space<vmem_shared>>
      tpu.enqueue_indirect_dma source(%arg9 : memref<128x128xf32, #tpu.memory_space<vmem>>) target(%dma_start3A_162 : memref<10112x128xf32, #tpu.memory_space<vmem_shared>>) offsets(%dma_start3A_159 : memref<128xi32, #tpu.memory_space<vmem>>) semaphore(%arg14 : memref<!tpu.dma_semaphore, #tpu.memory_space<semaphore_mem>>) {add = true}
      %dma_wait3A_163 = arith.constant 0 : i32
      %dma_wait3A_164 = arith.constant 0 : i32
      %dma_wait3A_165 = tpu.memref_slice %arg10[%dma_wait3A_163, %dma_wait3A_164] : memref<10112x128xf32, #tpu.memory_space<vmem_shared>> -> memref<128x128xf32, #tpu.memory_space<vmem_shared>>
      %dma_wait3A_166 = arith.constant 0 : i32
      %dma_wait3A_167 = arith.constant 0 : i32
      %dma_wait3A_168 = tpu.memref_slice %arg10[%dma_wait3A_166, %dma_wait3A_167] : memref<10112x128xf32, #tpu.memory_space<vmem_shared>> -> memref<128x128xf32, #tpu.memory_space<vmem_shared>>
      tpu.wait_dma2 semaphore(%arg13 : memref<!tpu.dma_semaphore, #tpu.memory_space<semaphore_mem>>) src(%arg8 : memref<128x128xf32, #tpu.memory_space<vmem>>) dst(%dma_wait3A_168 : memref<128x128xf32, #tpu.memory_space<vmem_shared>>)
      %add3A_169 = arith.constant 1 : i32
      %add3A_170 = arith.addi %while3A_120, %add3A_169 : i32
      %jit3A_171 = arith.constant 2 : i32
      %div3A_172 = arith.divsi %min3A_64, %jit3A_171 : i32
      %sign3A_173 = arith.constant 0 : i32
      %sign3A_174 = arith.cmpi sgt, %min3A_64, %sign3A_173 : i32
      %sign3A_175 = arith.extui %sign3A_174 : i1 to i32
      %sign3A_176 = arith.constant 0 : i32
      %sign3A_177 = arith.cmpi slt, %min3A_64, %sign3A_176 : i32
      %sign3A_178 = arith.extui %sign3A_177 : i1 to i32
      %sign3A_179 = arith.subi %sign3A_175, %sign3A_178 : i32
      %sign3A_180 = arith.constant 0 : i32
      %sign3A_181 = arith.cmpi sgt, %jit3A_171, %sign3A_180 : i32
      %sign3A_182 = arith.extui %sign3A_181 : i1 to i32
      %sign3A_183 = arith.constant 0 : i32
      %sign3A_184 = arith.cmpi slt, %jit3A_171, %sign3A_183 : i32
      %sign3A_185 = arith.extui %sign3A_184 : i1 to i32
      %sign3A_186 = arith.subi %sign3A_182, %sign3A_185 : i32
      %ne3A_187 = arith.cmpi ne, %sign3A_179, %sign3A_186 : i32
      %rem3A_188 = arith.remsi %min3A_64, %jit3A_171 : i32
      %ne3A_189 = arith.constant 0 : i32
      %ne3A_190 = arith.cmpi ne, %rem3A_188, %ne3A_189 : i32
      %and3A_191 = arith.andi %ne3A_187, %ne3A_190 : i1
      %sub3A_192 = arith.constant 1 : i32
      %sub3A_193 = arith.subi %div3A_172, %sub3A_192 : i32
      %select_n3A_194 = arith.select %and3A_191, %sub3A_193, %div3A_172 : i32
      %lt3A = arith.cmpi slt, %add3A_170, %select_n3A_194 : i32
      %convert_element_type3A_195 = arith.extui %lt3A : i1 to i32
      %cond3A_196 = arith.constant 0 : i32
      %cond3A_197 = arith.cmpi ne, %convert_element_type3A_195, %cond3A_196 : i32
      scf.if %cond3A_197 {
        %add3A_198 = arith.constant 1 : i32
        %add3A_199 = arith.addi %add3A_150, %add3A_198 : i32
        %dma_start3A_200 = arith.constant 0 : i32
        %dma_start3A_201 = tpu.memref_slice %arg6[%add3A_199, %dma_start3A_200] : memref<48x128xi32, #tpu.memory_space<vmem>> -> memref<1x128xi32, #tpu.memory_space<vmem>>
        %dma_start3A_202 = tpu.memref_squeeze %dma_start3A_201 : memref<1x128xi32, #tpu.memory_space<vmem>> -> memref<128xi32, #tpu.memory_space<vmem>>
        %dma_start3A_203 = arith.constant 0 : i32
        %dma_start3A_204 = arith.constant 0 : i32
        %dma_start3A_205 = tpu.memref_slice %arg2[%dma_start3A_203, %dma_start3A_204] : memref<10000x128xf32, #tpu.memory_space<hbm>> -> memref<10000x128xf32, #tpu.memory_space<hbm>>
        tpu.enqueue_indirect_dma source(%dma_start3A_205 : memref<10000x128xf32, #tpu.memory_space<hbm>>) target(%arg8 : memref<128x128xf32, #tpu.memory_space<vmem>>) offsets(%dma_start3A_202 : memref<128xi32, #tpu.memory_space<vmem>>) semaphore(%arg11 : memref<!tpu.dma_semaphore, #tpu.memory_space<semaphore_mem>>)
      } else {
      }
    }
    %gt3A_104 = arith.constant 0 : i32
    %gt3A_105 = arith.cmpi sgt, %min3A_64, %gt3A_104 : i32
    %convert_element_type3A_106 = arith.extui %gt3A_105 : i1 to i32
    %cond3A_107 = arith.constant 0 : i32
    %cond3A_108 = arith.cmpi ne, %convert_element_type3A_106, %cond3A_107 : i32
    scf.if %cond3A_108 {
      %dma_wait3A = arith.constant 0 : i32
      %dma_wait3A_120 = arith.constant 0 : i32
      %dma_wait3A_121 = tpu.memref_slice %arg10[%dma_wait3A, %dma_wait3A_120] : memref<10112x128xf32, #tpu.memory_space<vmem_shared>> -> memref<128x128xf32, #tpu.memory_space<vmem_shared>>
      %dma_wait3A_122 = arith.constant 0 : i32
      %dma_wait3A_123 = arith.constant 0 : i32
      %dma_wait3A_124 = tpu.memref_slice %arg10[%dma_wait3A_122, %dma_wait3A_123] : memref<10112x128xf32, #tpu.memory_space<vmem_shared>> -> memref<128x128xf32, #tpu.memory_space<vmem_shared>>
      tpu.wait_dma2 semaphore(%arg14 : memref<!tpu.dma_semaphore, #tpu.memory_space<semaphore_mem>>) src(%arg9 : memref<128x128xf32, #tpu.memory_space<vmem>>) dst(%dma_wait3A_124 : memref<128x128xf32, #tpu.memory_space<vmem_shared>>)
    } else {
    }
    %barrier3A_109 = arith.constant 0 : index
    tpu.barrier barrier_id(%barrier3A_109)
    %eq3A_110 = arith.constant 15 : i32
    %eq3A_111 = arith.cmpi eq, %arg1, %eq3A_110 : i32
    %convert_element_type3A_112 = arith.extui %eq3A_111 : i1 to i32
    %cond3A_113 = arith.constant 0 : i32
    %cond3A_114 = arith.cmpi ne, %convert_element_type3A_112, %cond3A_113 : i32
    scf.if %cond3A_114 {
      "tpu.region"() ({
        %run_scoped3A = tpu.sem_alloc : memref<!tpu.dma_semaphore, #tpu.memory_space<semaphore_mem>>
        %dma_start3A = arith.constant 0 : i32
        %dma_start3A_120 = arith.constant 0 : i32
        %dma_start3A_121 = tpu.memref_slice %arg5[%arg0, %dma_start3A, %dma_start3A_120] : memref<2x10000x128xf32, #tpu.memory_space<hbm>> -> memref<1x10000x128xf32, #tpu.memory_space<hbm>>
        %dma_start3A_122 = tpu.memref_squeeze %dma_start3A_121 : memref<1x10000x128xf32, #tpu.memory_space<hbm>> -> memref<10000x128xf32, #tpu.memory_space<hbm>>
        %dma_start3A_123 = arith.constant 0 : i32
        %dma_start3A_124 = tpu.memref_slice %dma_start3A_122[%mul3A_10, %dma_start3A_123] : memref<10000x128xf32, #tpu.memory_space<hbm>> -> memref<520x128xf32, #tpu.memory_space<hbm>>
        %dma_start3A_125 = arith.constant 0 : i32
        %dma_start3A_126 = tpu.memref_slice %arg10[%mul3A_10, %dma_start3A_125] : memref<10112x128xf32, #tpu.memory_space<vmem_shared>> -> memref<520x128xf32, #tpu.memory_space<vmem_shared>>
        tpu.enqueue_dma source(%dma_start3A_126 : memref<520x128xf32, #tpu.memory_space<vmem_shared>>) target(%dma_start3A_124 : memref<520x128xf32, #tpu.memory_space<hbm>>) target_semaphore(%run_scoped3A : memref<!tpu.dma_semaphore, #tpu.memory_space<semaphore_mem>>)
        %dma_wait3A = arith.constant 0 : i32
        %dma_wait3A_127 = arith.constant 0 : i32
        %dma_wait3A_128 = tpu.memref_slice %arg5[%arg0, %dma_wait3A, %dma_wait3A_127] : memref<2x10000x128xf32, #tpu.memory_space<hbm>> -> memref<1x10000x128xf32, #tpu.memory_space<hbm>>
        %dma_wait3A_129 = tpu.memref_squeeze %dma_wait3A_128 : memref<1x10000x128xf32, #tpu.memory_space<hbm>> -> memref<10000x128xf32, #tpu.memory_space<hbm>>
        %dma_wait3A_130 = arith.constant 0 : i32
        %dma_wait3A_131 = tpu.memref_slice %dma_wait3A_129[%mul3A_10, %dma_wait3A_130] : memref<10000x128xf32, #tpu.memory_space<hbm>> -> memref<520x128xf32, #tpu.memory_space<hbm>>
        %dma_wait3A_132 = arith.constant 0 : i32
        %dma_wait3A_133 = tpu.memref_slice %arg10[%mul3A_10, %dma_wait3A_132] : memref<10112x128xf32, #tpu.memory_space<vmem_shared>> -> memref<520x128xf32, #tpu.memory_space<vmem_shared>>
        tpu.wait_dma2 semaphore(%run_scoped3A : memref<!tpu.dma_semaphore, #tpu.memory_space<semaphore_mem>>) src(%dma_wait3A_133 : memref<520x128xf32, #tpu.memory_space<vmem_shared>>) dst(%dma_wait3A_131 : memref<520x128xf32, #tpu.memory_space<hbm>>)
        tpu.yield
      }) : () -> ()
    } else {
    }
    %ne3A_115 = arith.constant 15 : i32
    %ne3A_116 = arith.cmpi ne, %arg1, %ne3A_115 : i32
    %convert_element_type3A_117 = arith.extui %ne3A_116 : i1 to i32
    %cond3A_118 = arith.constant 0 : i32
    %cond3A_119 = arith.cmpi ne, %convert_element_type3A_117, %cond3A_118 : i32
    scf.if %cond3A_119 {
      "tpu.region"() ({
        %run_scoped3A = tpu.sem_alloc : memref<!tpu.dma_semaphore, #tpu.memory_space<semaphore_mem>>
        %dma_start3A = arith.constant 0 : i32
        %dma_start3A_120 = arith.constant 0 : i32
        %dma_start3A_121 = tpu.memref_slice %arg5[%arg0, %dma_start3A, %dma_start3A_120] : memref<2x10000x128xf32, #tpu.memory_space<hbm>> -> memref<1x10000x128xf32, #tpu.memory_space<hbm>>
        %dma_start3A_122 = tpu.memref_squeeze %dma_start3A_121 : memref<1x10000x128xf32, #tpu.memory_space<hbm>> -> memref<10000x128xf32, #tpu.memory_space<hbm>>
        %dma_start3A_123 = arith.constant 0 : i32
        %dma_start3A_124 = tpu.memref_slice %dma_start3A_122[%mul3A_10, %dma_start3A_123] : memref<10000x128xf32, #tpu.memory_space<hbm>> -> memref<632x128xf32, #tpu.memory_space<hbm>>
        %dma_start3A_125 = arith.constant 0 : i32
        %dma_start3A_126 = tpu.memref_slice %arg10[%mul3A_10, %dma_start3A_125] : memref<10112x128xf32, #tpu.memory_space<vmem_shared>> -> memref<632x128xf32, #tpu.memory_space<vmem_shared>>
        tpu.enqueue_dma source(%dma_start3A_126 : memref<632x128xf32, #tpu.memory_space<vmem_shared>>) target(%dma_start3A_124 : memref<632x128xf32, #tpu.memory_space<hbm>>) target_semaphore(%run_scoped3A : memref<!tpu.dma_semaphore, #tpu.memory_space<semaphore_mem>>)
        %dma_wait3A = arith.constant 0 : i32
        %dma_wait3A_127 = arith.constant 0 : i32
        %dma_wait3A_128 = tpu.memref_slice %arg5[%arg0, %dma_wait3A, %dma_wait3A_127] : memref<2x10000x128xf32, #tpu.memory_space<hbm>> -> memref<1x10000x128xf32, #tpu.memory_space<hbm>>
        %dma_wait3A_129 = tpu.memref_squeeze %dma_wait3A_128 : memref<1x10000x128xf32, #tpu.memory_space<hbm>> -> memref<10000x128xf32, #tpu.memory_space<hbm>>
        %dma_wait3A_130 = arith.constant 0 : i32
        %dma_wait3A_131 = tpu.memref_slice %dma_wait3A_129[%mul3A_10, %dma_wait3A_130] : memref<10000x128xf32, #tpu.memory_space<hbm>> -> memref<632x128xf32, #tpu.memory_space<hbm>>
        %dma_wait3A_132 = arith.constant 0 : i32
        %dma_wait3A_133 = tpu.memref_slice %arg10[%mul3A_10, %dma_wait3A_132] : memref<10112x128xf32, #tpu.memory_space<vmem_shared>> -> memref<632x128xf32, #tpu.memory_space<vmem_shared>>
        tpu.wait_dma2 semaphore(%run_scoped3A : memref<!tpu.dma_semaphore, #tpu.memory_space<semaphore_mem>>) src(%dma_wait3A_133 : memref<632x128xf32, #tpu.memory_space<vmem_shared>>) dst(%dma_wait3A_131 : memref<632x128xf32, #tpu.memory_space<hbm>>)
        tpu.yield
      }) : () -> ()
    } else {
    }
    return
  }
}

module attributes {stable_mosaic.version = 14 : i64} {
  func.func @_mlp_body(%arg0: i32, %arg1: memref<1xf32, #tpu.memory_space<smem>>, %arg2: memref<2000x128xf32, #tpu.memory_space<vmem>>, %arg3: memref<1x2000x128xf32, #tpu.memory_space<vmem>>, %arg4: memref<1x2000x128xf32, #tpu.memory_space<vmem>>, %arg5: memref<128x64xf32, #tpu.memory_space<vmem>>, %arg6: memref<1x64xf32, #tpu.memory_space<vmem>>, %arg7: memref<1x64xf32, #tpu.memory_space<vmem>>, %arg8: memref<1x64xf32, #tpu.memory_space<vmem>>, %arg9: memref<64x64xf32, #tpu.memory_space<vmem>>, %arg10: memref<1x64xf32, #tpu.memory_space<vmem>>, %arg11: memref<1x64xf32, #tpu.memory_space<vmem>>, %arg12: memref<1x64xf32, #tpu.memory_space<vmem>>, %arg13: memref<64x128xf32, #tpu.memory_space<vmem>>, %arg14: memref<1x128xf32, #tpu.memory_space<vmem>>, %arg15: memref<1x128xf32, #tpu.memory_space<vmem>>, %arg16: memref<1x128xf32, #tpu.memory_space<vmem>>, %arg17: memref<2000x128xf32, #tpu.memory_space<vmem>>) attributes {dimension_semantics = [#tpu.dimension_semantics<arbitrary>], iteration_bounds = array<i64: 5>, scalar_prefetch = 0 : i64, scratch_operands = 0 : i64, tpu.core_type = #tpu.core_type<tc>, window_params = [{transform_indices = @transform_0, window_bounds = array<i64: 1>}, {transform_indices = @transform_1, window_bounds = array<i64: 2000, 128>}, {transform_indices = @transform_2, window_bounds = array<i64: 1, 2000, 128>}, {transform_indices = @transform_3, window_bounds = array<i64: 1, 2000, 128>}, {pipeline_mode = #tpu.pipeline_mode<synchronous>, transform_indices = @transform_4, window_bounds = array<i64: 128, 64>}, {pipeline_mode = #tpu.pipeline_mode<synchronous>, transform_indices = @transform_5, window_bounds = array<i64: 1, 64>}, {pipeline_mode = #tpu.pipeline_mode<synchronous>, transform_indices = @transform_6, window_bounds = array<i64: 1, 64>}, {pipeline_mode = #tpu.pipeline_mode<synchronous>, transform_indices = @transform_7, window_bounds = array<i64: 1, 64>}, {pipeline_mode = #tpu.pipeline_mode<synchronous>, transform_indices = @transform_8, window_bounds = array<i64: 64, 64>}, {pipeline_mode = #tpu.pipeline_mode<synchronous>, transform_indices = @transform_9, window_bounds = array<i64: 1, 64>}, {pipeline_mode = #tpu.pipeline_mode<synchronous>, transform_indices = @transform_10, window_bounds = array<i64: 1, 64>}, {pipeline_mode = #tpu.pipeline_mode<synchronous>, transform_indices = @transform_11, window_bounds = array<i64: 1, 64>}, {pipeline_mode = #tpu.pipeline_mode<synchronous>, transform_indices = @transform_12, window_bounds = array<i64: 64, 128>}, {pipeline_mode = #tpu.pipeline_mode<synchronous>, transform_indices = @transform_13, window_bounds = array<i64: 1, 128>}, {pipeline_mode = #tpu.pipeline_mode<synchronous>, transform_indices = @transform_14, window_bounds = array<i64: 1, 128>}, {pipeline_mode = #tpu.pipeline_mode<synchronous>, transform_indices = @transform_15, window_bounds = array<i64: 1, 128>}, {transform_indices = @transform_16, window_bounds = array<i64: 2000, 128>}]} {
    %get3A = arith.constant 0 : index
    %get3A_0 = arith.constant 0 : index
    %get3A_1 = vector.load %arg2[%get3A, %get3A_0] : memref<2000x128xf32, #tpu.memory_space<vmem>>, vector<2000x128xf32>
    %get3A_2 = arith.constant 0 : index
    %get3A_3 = memref.load %arg1[%get3A_2] : memref<1xf32, #tpu.memory_space<smem>>
    %mul3A = vector.broadcast %get3A_3 : f32 to vector<2000x128xf32>
    %mul3A_4 = arith.mulf %mul3A, %get3A_1 : vector<2000x128xf32>
    %get3A_5 = arith.constant 0 : index
    %get3A_6 = arith.constant 0 : index
    %get3A_7 = arith.constant 0 : index
    %get3A_8 = vector.load %arg3[%get3A_5, %get3A_6, %get3A_7] : memref<1x2000x128xf32, #tpu.memory_space<vmem>>, vector<1x2000x128xf32>
    %get3A_9 = vector.shape_cast %get3A_8 : vector<1x2000x128xf32> to vector<2000x128xf32>
    %add3A = arith.addf %mul3A_4, %get3A_9 : vector<2000x128xf32>
    %get3A_10 = arith.constant 0 : index
    %get3A_11 = arith.constant 0 : index
    %get3A_12 = arith.constant 0 : index
    %get3A_13 = vector.load %arg4[%get3A_10, %get3A_11, %get3A_12] : memref<1x2000x128xf32, #tpu.memory_space<vmem>>, vector<1x2000x128xf32>
    %get3A_14 = vector.shape_cast %get3A_13 : vector<1x2000x128xf32> to vector<2000x128xf32>
    %add3A_15 = arith.addf %add3A, %get3A_14 : vector<2000x128xf32>
    %get3A_16 = arith.constant 0 : index
    %get3A_17 = arith.constant 0 : index
    %get3A_18 = vector.load %arg5[%get3A_16, %get3A_17] : memref<128x64xf32, #tpu.memory_space<vmem>>, vector<128x64xf32>
    %dot_general3A = arith.constant dense<0.000000e+00> : vector<2000x64xf32>
    %dot_general3A_19 = tpu.matmul %add3A_15, %get3A_18, %dot_general3A {dimension_numbers = #tpu.dot_dimension_numbers<[1], [0], [0], [1], [0, 0, 1, 1], [], []>, transpose_lhs_hint = false} : vector<2000x128xf32>, vector<128x64xf32>, vector<2000x64xf32> -> vector<2000x64xf32>
    %get3A_20 = arith.constant 0 : index
    %get3A_21 = arith.constant 0 : index
    %get3A_22 = vector.load %arg6[%get3A_20, %get3A_21] : memref<1x64xf32, #tpu.memory_space<vmem>>, vector<1x64xf32>
    %add3A_23 = vector.broadcast %get3A_22 : vector<1x64xf32> to vector<2000x64xf32>
    %add3A_24 = arith.addf %dot_general3A_19, %add3A_23 : vector<2000x64xf32>
    %get3A_25 = arith.constant 0 : index
    %get3A_26 = arith.constant 0 : index
    %get3A_27 = vector.load %arg7[%get3A_25, %get3A_26] : memref<1x64xf32, #tpu.memory_space<vmem>>, vector<1x64xf32>
    %get3A_28 = arith.constant 0 : index
    %get3A_29 = arith.constant 0 : index
    %get3A_30 = vector.load %arg8[%get3A_28, %get3A_29] : memref<1x64xf32, #tpu.memory_space<vmem>>, vector<1x64xf32>
    %reduce_sum3A = arith.constant dense<0.000000e+00> : vector<2000xf32>
    %reduce_sum3A_31 = vector.multi_reduction <add>, %add3A_24, %reduce_sum3A [1] : vector<2000x64xf32> to vector<2000xf32>
    %broadcast_in_dim3A = vector.shape_cast %reduce_sum3A_31 : vector<2000xf32> to vector<2000x1xf32>
    %div3A = arith.constant 6.400000e+01 : f32
    %div3A_32 = vector.broadcast %div3A : f32 to vector<2000x1xf32>
    %div3A_33 = arith.divf %broadcast_in_dim3A, %div3A_32 : vector<2000x1xf32>
    %sub3A = vector.broadcast %div3A_33 : vector<2000x1xf32> to vector<2000x64xf32>
    %sub3A_34 = arith.subf %add3A_24, %sub3A : vector<2000x64xf32>
    %mul3A_35 = arith.mulf %sub3A_34, %sub3A_34 : vector<2000x64xf32>
    %reduce_sum3A_36 = arith.constant dense<0.000000e+00> : vector<2000xf32>
    %reduce_sum3A_37 = vector.multi_reduction <add>, %mul3A_35, %reduce_sum3A_36 [1] : vector<2000x64xf32> to vector<2000xf32>
    %broadcast_in_dim3A_38 = vector.shape_cast %reduce_sum3A_37 : vector<2000xf32> to vector<2000x1xf32>
    %div3A_39 = arith.constant 6.400000e+01 : f32
    %div3A_40 = vector.broadcast %div3A_39 : f32 to vector<2000x1xf32>
    %div3A_41 = arith.divf %broadcast_in_dim3A_38, %div3A_40 : vector<2000x1xf32>
    %add3A_42 = arith.constant 9.99999974E-6 : f32
    %add3A_43 = vector.broadcast %add3A_42 : f32 to vector<2000x1xf32>
    %add3A_44 = arith.addf %div3A_41, %add3A_43 : vector<2000x1xf32>
    %rsqrt3A = math.rsqrt %add3A_44 : vector<2000x1xf32>
    %mul3A_45 = vector.broadcast %rsqrt3A : vector<2000x1xf32> to vector<2000x64xf32>
    %mul3A_46 = arith.mulf %sub3A_34, %mul3A_45 : vector<2000x64xf32>
    %mul3A_47 = vector.broadcast %get3A_27 : vector<1x64xf32> to vector<2000x64xf32>
    %mul3A_48 = arith.mulf %mul3A_46, %mul3A_47 : vector<2000x64xf32>
    %add3A_49 = vector.broadcast %get3A_30 : vector<1x64xf32> to vector<2000x64xf32>
    %add3A_50 = arith.addf %mul3A_48, %add3A_49 : vector<2000x64xf32>
    %max3A = arith.constant 0.000000e+00 : f32
    %max3A_51 = vector.broadcast %max3A : f32 to vector<2000x64xf32>
    %max3A_52 = arith.maximumf %add3A_50, %max3A_51 : vector<2000x64xf32>
    %get3A_53 = arith.constant 0 : index
    %get3A_54 = arith.constant 0 : index
    %get3A_55 = vector.load %arg9[%get3A_53, %get3A_54] : memref<64x64xf32, #tpu.memory_space<vmem>>, vector<64x64xf32>
    %dot_general3A_56 = arith.constant dense<0.000000e+00> : vector<2000x64xf32>
    %dot_general3A_57 = tpu.matmul %max3A_52, %get3A_55, %dot_general3A_56 {dimension_numbers = #tpu.dot_dimension_numbers<[1], [0], [0], [1], [0, 0, 1, 1], [], []>, transpose_lhs_hint = false} : vector<2000x64xf32>, vector<64x64xf32>, vector<2000x64xf32> -> vector<2000x64xf32>
    %get3A_58 = arith.constant 0 : index
    %get3A_59 = arith.constant 0 : index
    %get3A_60 = vector.load %arg10[%get3A_58, %get3A_59] : memref<1x64xf32, #tpu.memory_space<vmem>>, vector<1x64xf32>
    %add3A_61 = vector.broadcast %get3A_60 : vector<1x64xf32> to vector<2000x64xf32>
    %add3A_62 = arith.addf %dot_general3A_57, %add3A_61 : vector<2000x64xf32>
    %get3A_63 = arith.constant 0 : index
    %get3A_64 = arith.constant 0 : index
    %get3A_65 = vector.load %arg11[%get3A_63, %get3A_64] : memref<1x64xf32, #tpu.memory_space<vmem>>, vector<1x64xf32>
    %get3A_66 = arith.constant 0 : index
    %get3A_67 = arith.constant 0 : index
    %get3A_68 = vector.load %arg12[%get3A_66, %get3A_67] : memref<1x64xf32, #tpu.memory_space<vmem>>, vector<1x64xf32>
    %reduce_sum3A_69 = arith.constant dense<0.000000e+00> : vector<2000xf32>
    %reduce_sum3A_70 = vector.multi_reduction <add>, %add3A_62, %reduce_sum3A_69 [1] : vector<2000x64xf32> to vector<2000xf32>
    %broadcast_in_dim3A_71 = vector.shape_cast %reduce_sum3A_70 : vector<2000xf32> to vector<2000x1xf32>
    %div3A_72 = arith.constant 6.400000e+01 : f32
    %div3A_73 = vector.broadcast %div3A_72 : f32 to vector<2000x1xf32>
    %div3A_74 = arith.divf %broadcast_in_dim3A_71, %div3A_73 : vector<2000x1xf32>
    %sub3A_75 = vector.broadcast %div3A_74 : vector<2000x1xf32> to vector<2000x64xf32>
    %sub3A_76 = arith.subf %add3A_62, %sub3A_75 : vector<2000x64xf32>
    %mul3A_77 = arith.mulf %sub3A_76, %sub3A_76 : vector<2000x64xf32>
    %reduce_sum3A_78 = arith.constant dense<0.000000e+00> : vector<2000xf32>
    %reduce_sum3A_79 = vector.multi_reduction <add>, %mul3A_77, %reduce_sum3A_78 [1] : vector<2000x64xf32> to vector<2000xf32>
    %broadcast_in_dim3A_80 = vector.shape_cast %reduce_sum3A_79 : vector<2000xf32> to vector<2000x1xf32>
    %div3A_81 = arith.constant 6.400000e+01 : f32
    %div3A_82 = vector.broadcast %div3A_81 : f32 to vector<2000x1xf32>
    %div3A_83 = arith.divf %broadcast_in_dim3A_80, %div3A_82 : vector<2000x1xf32>
    %add3A_84 = arith.constant 9.99999974E-6 : f32
    %add3A_85 = vector.broadcast %add3A_84 : f32 to vector<2000x1xf32>
    %add3A_86 = arith.addf %div3A_83, %add3A_85 : vector<2000x1xf32>
    %rsqrt3A_87 = math.rsqrt %add3A_86 : vector<2000x1xf32>
    %mul3A_88 = vector.broadcast %rsqrt3A_87 : vector<2000x1xf32> to vector<2000x64xf32>
    %mul3A_89 = arith.mulf %sub3A_76, %mul3A_88 : vector<2000x64xf32>
    %mul3A_90 = vector.broadcast %get3A_65 : vector<1x64xf32> to vector<2000x64xf32>
    %mul3A_91 = arith.mulf %mul3A_89, %mul3A_90 : vector<2000x64xf32>
    %add3A_92 = vector.broadcast %get3A_68 : vector<1x64xf32> to vector<2000x64xf32>
    %add3A_93 = arith.addf %mul3A_91, %add3A_92 : vector<2000x64xf32>
    %max3A_94 = arith.constant 0.000000e+00 : f32
    %max3A_95 = vector.broadcast %max3A_94 : f32 to vector<2000x64xf32>
    %max3A_96 = arith.maximumf %add3A_93, %max3A_95 : vector<2000x64xf32>
    %get3A_97 = arith.constant 0 : index
    %get3A_98 = arith.constant 0 : index
    %get3A_99 = vector.load %arg13[%get3A_97, %get3A_98] : memref<64x128xf32, #tpu.memory_space<vmem>>, vector<64x128xf32>
    %dot_general3A_100 = arith.constant dense<0.000000e+00> : vector<2000x128xf32>
    %dot_general3A_101 = tpu.matmul %max3A_96, %get3A_99, %dot_general3A_100 {dimension_numbers = #tpu.dot_dimension_numbers<[1], [0], [0], [1], [0, 0, 1, 1], [], []>, transpose_lhs_hint = false} : vector<2000x64xf32>, vector<64x128xf32>, vector<2000x128xf32> -> vector<2000x128xf32>
    %add3A_102 = arith.addf %get3A_1, %dot_general3A_101 : vector<2000x128xf32>
    %get3A_103 = arith.constant 0 : index
    %get3A_104 = arith.constant 0 : index
    %get3A_105 = vector.load %arg14[%get3A_103, %get3A_104] : memref<1x128xf32, #tpu.memory_space<vmem>>, vector<1x128xf32>
    %add3A_106 = vector.broadcast %get3A_105 : vector<1x128xf32> to vector<2000x128xf32>
    %add3A_107 = arith.addf %add3A_102, %add3A_106 : vector<2000x128xf32>
    %get3A_108 = arith.constant 0 : index
    %get3A_109 = arith.constant 0 : index
    %get3A_110 = vector.load %arg15[%get3A_108, %get3A_109] : memref<1x128xf32, #tpu.memory_space<vmem>>, vector<1x128xf32>
    %get3A_111 = arith.constant 0 : index
    %get3A_112 = arith.constant 0 : index
    %get3A_113 = vector.load %arg16[%get3A_111, %get3A_112] : memref<1x128xf32, #tpu.memory_space<vmem>>, vector<1x128xf32>
    %reduce_sum3A_114 = arith.constant dense<0.000000e+00> : vector<2000xf32>
    %reduce_sum3A_115 = vector.multi_reduction <add>, %add3A_107, %reduce_sum3A_114 [1] : vector<2000x128xf32> to vector<2000xf32>
    %broadcast_in_dim3A_116 = vector.shape_cast %reduce_sum3A_115 : vector<2000xf32> to vector<2000x1xf32>
    %div3A_117 = arith.constant 1.280000e+02 : f32
    %div3A_118 = vector.broadcast %div3A_117 : f32 to vector<2000x1xf32>
    %div3A_119 = arith.divf %broadcast_in_dim3A_116, %div3A_118 : vector<2000x1xf32>
    %sub3A_120 = vector.broadcast %div3A_119 : vector<2000x1xf32> to vector<2000x128xf32>
    %sub3A_121 = arith.subf %add3A_107, %sub3A_120 : vector<2000x128xf32>
    %mul3A_122 = arith.mulf %sub3A_121, %sub3A_121 : vector<2000x128xf32>
    %reduce_sum3A_123 = arith.constant dense<0.000000e+00> : vector<2000xf32>
    %reduce_sum3A_124 = vector.multi_reduction <add>, %mul3A_122, %reduce_sum3A_123 [1] : vector<2000x128xf32> to vector<2000xf32>
    %broadcast_in_dim3A_125 = vector.shape_cast %reduce_sum3A_124 : vector<2000xf32> to vector<2000x1xf32>
    %div3A_126 = arith.constant 1.280000e+02 : f32
    %div3A_127 = vector.broadcast %div3A_126 : f32 to vector<2000x1xf32>
    %div3A_128 = arith.divf %broadcast_in_dim3A_125, %div3A_127 : vector<2000x1xf32>
    %add3A_129 = arith.constant 9.99999974E-6 : f32
    %add3A_130 = vector.broadcast %add3A_129 : f32 to vector<2000x1xf32>
    %add3A_131 = arith.addf %div3A_128, %add3A_130 : vector<2000x1xf32>
    %rsqrt3A_132 = math.rsqrt %add3A_131 : vector<2000x1xf32>
    %mul3A_133 = vector.broadcast %rsqrt3A_132 : vector<2000x1xf32> to vector<2000x128xf32>
    %mul3A_134 = arith.mulf %sub3A_121, %mul3A_133 : vector<2000x128xf32>
    %mul3A_135 = vector.broadcast %get3A_110 : vector<1x128xf32> to vector<2000x128xf32>
    %mul3A_136 = arith.mulf %mul3A_134, %mul3A_135 : vector<2000x128xf32>
    %add3A_137 = vector.broadcast %get3A_113 : vector<1x128xf32> to vector<2000x128xf32>
    %add3A_138 = arith.addf %mul3A_136, %add3A_137 : vector<2000x128xf32>
    %max3A_139 = arith.constant 0.000000e+00 : f32
    %max3A_140 = vector.broadcast %max3A_139 : f32 to vector<2000x128xf32>
    %max3A_141 = arith.maximumf %add3A_138, %max3A_140 : vector<2000x128xf32>
    %swap3A = arith.constant 0 : index
    %swap3A_142 = arith.constant 0 : index
    %swap3A_143 = vector.load %arg17[%swap3A, %swap3A_142] : memref<2000x128xf32, #tpu.memory_space<vmem>>, vector<2000x128xf32>
    tpu.vector_store %arg17[%swap3A, %swap3A_142], %max3A_141 {strides = array<i32>} : memref<2000x128xf32, #tpu.memory_space<vmem>>, vector<2000x128xf32>,
    return
  }
  func.func @transform_0(%arg0: i32) -> i32 {
    %c0_i32 = arith.constant 0 : i32
    %c0_i32_0 = arith.constant 0 : i32
    return %c0_i32 : i32
  }
  func.func @transform_1(%arg0: i32) -> (i32, i32) {
    %c0_i32 = arith.constant 0 : i32
    %c0_i32_0 = arith.constant 0 : i32
    return %arg0, %c0_i32 : i32, i32
  }
  func.func @transform_2(%arg0: i32) -> (i32, i32, i32) {
    %c0_i32 = arith.constant 0 : i32
    %c0_i32_0 = arith.constant 0 : i32
    %c0_i32_1 = arith.constant 0 : i32
    return %c0_i32, %arg0, %c0_i32_0 : i32, i32, i32
  }
  func.func @transform_3(%arg0: i32) -> (i32, i32, i32) {
    %c1_i32 = arith.constant 1 : i32
    %c0_i32 = arith.constant 0 : i32
    %c0_i32_0 = arith.constant 0 : i32
    return %c1_i32, %arg0, %c0_i32 : i32, i32, i32
  }
  func.func @transform_4(%arg0: i32) -> (i32, i32) {
    %c0_i32 = arith.constant 0 : i32
    %c0_i32_0 = arith.constant 0 : i32
    %c0_i32_1 = arith.constant 0 : i32
    return %c0_i32, %c0_i32_0 : i32, i32
  }
  func.func @transform_5(%arg0: i32) -> (i32, i32) {
    %c0_i32 = arith.constant 0 : i32
    %c0_i32_0 = arith.constant 0 : i32
    %c0_i32_1 = arith.constant 0 : i32
    return %c0_i32, %c0_i32_0 : i32, i32
  }
  func.func @transform_6(%arg0: i32) -> (i32, i32) {
    %c0_i32 = arith.constant 0 : i32
    %c0_i32_0 = arith.constant 0 : i32
    %c0_i32_1 = arith.constant 0 : i32
    return %c0_i32, %c0_i32_0 : i32, i32
  }
  func.func @transform_7(%arg0: i32) -> (i32, i32) {
    %c0_i32 = arith.constant 0 : i32
    %c0_i32_0 = arith.constant 0 : i32
    %c0_i32_1 = arith.constant 0 : i32
    return %c0_i32, %c0_i32_0 : i32, i32
  }
  func.func @transform_8(%arg0: i32) -> (i32, i32) {
    %c0_i32 = arith.constant 0 : i32
    %c0_i32_0 = arith.constant 0 : i32
    %c0_i32_1 = arith.constant 0 : i32
    return %c0_i32, %c0_i32_0 : i32, i32
  }
  func.func @transform_9(%arg0: i32) -> (i32, i32) {
    %c0_i32 = arith.constant 0 : i32
    %c0_i32_0 = arith.constant 0 : i32
    %c0_i32_1 = arith.constant 0 : i32
    return %c0_i32, %c0_i32_0 : i32, i32
  }
  func.func @transform_10(%arg0: i32) -> (i32, i32) {
    %c0_i32 = arith.constant 0 : i32
    %c0_i32_0 = arith.constant 0 : i32
    %c0_i32_1 = arith.constant 0 : i32
    return %c0_i32, %c0_i32_0 : i32, i32
  }
  func.func @transform_11(%arg0: i32) -> (i32, i32) {
    %c0_i32 = arith.constant 0 : i32
    %c0_i32_0 = arith.constant 0 : i32
    %c0_i32_1 = arith.constant 0 : i32
    return %c0_i32, %c0_i32_0 : i32, i32
  }
  func.func @transform_12(%arg0: i32) -> (i32, i32) {
    %c0_i32 = arith.constant 0 : i32
    %c0_i32_0 = arith.constant 0 : i32
    %c0_i32_1 = arith.constant 0 : i32
    return %c0_i32, %c0_i32_0 : i32, i32
  }
  func.func @transform_13(%arg0: i32) -> (i32, i32) {
    %c0_i32 = arith.constant 0 : i32
    %c0_i32_0 = arith.constant 0 : i32
    %c0_i32_1 = arith.constant 0 : i32
    return %c0_i32, %c0_i32_0 : i32, i32
  }
  func.func @transform_14(%arg0: i32) -> (i32, i32) {
    %c0_i32 = arith.constant 0 : i32
    %c0_i32_0 = arith.constant 0 : i32
    %c0_i32_1 = arith.constant 0 : i32
    return %c0_i32, %c0_i32_0 : i32, i32
  }
  func.func @transform_15(%arg0: i32) -> (i32, i32) {
    %c0_i32 = arith.constant 0 : i32
    %c0_i32_0 = arith.constant 0 : i32
    %c0_i32_1 = arith.constant 0 : i32
    return %c0_i32, %c0_i32_0 : i32, i32
  }
  func.func @transform_16(%arg0: i32) -> (i32, i32) {
    %c0_i32 = arith.constant 0 : i32
    %c0_i32_0 = arith.constant 0 : i32
    return %arg0, %c0_i32 : i32, i32
  }
}

</mosaic_0001>

<sc_bundles>
// kernel: kernel.4.cloned.1.call-start
scs
__scs_entry_jumppad:
0x0: {  	(pc) =	sbr.rel $0x88, $3  }
0x1: {  	(tag) =	ssettag $0x0;
	lr =	simm.s32 $0x1  }
0x2: {  	[smem:$0x3F92] =	sst lr;
	_ =	strace $0xD0000000  }
0x3: {  	_ = 	snop  }
0x4: {  	_ = 	snop  }
0x5: {  	_ = 	snop  }
0x6: {  	_ = 	snop  }
0x7: {  	_ = 	snop  }
__scs_overlays_trampoline_lowered:
0x8: {  	[smem:$0x3FA1] =	sst s0  }
0x9: {  	[smem:$0x3FA2] =	sst s1  }
0xa: {  	[smem:$0x3FA3] =	sst s2  }
0xb: {  	[smem:$0x3FA4] =	sst s3  }
0xc: {  	[smem:$0x3FA5] =	sst s4  }
0xd: {  	[smem:$0x3FA6] =	sst s5  }
0xe: {  	[smem:$0x3FA7] =	sst s6  }
0xf: {  	[smem:$0x3FA8] =	sst s7  }
0x10: {  	[smem:$0x3FA9] =	sst s8  }
0x11: {  	[smem:$0x3FAA] =	sst s9;
	s0 =	simm.s32 @!p0 $0x0  }
0x12: {  	s1 =	sld [smem:$0x3F90];
	s0 =	simm.s32 @p0 $0x1  }
0x13: {  	[smem:$0x3FAB] =	sst s0;
	s0 =	simm.s32 @!p1 $0x0  }
0x14: {  	s2 =	sld [smem:$0x3F8F];
	s0 =	simm.s32 @p1 $0x1  }
0x15: {  	[smem:$0x3FAC] =	sst s0;
	s0 =	simm.s32 @!p2 $0x0  }
0x16: {  	s3 =	sld [smem:$0x3FDB];
	s0 =	simm.s32 @p2 $0x1  }
0x17: {  	s4 =	simm.s32 $0x1BF5;
	[smem:$0x3FAE] =	sst s0  }
0x18: {  	s0 =	sld [smem:$0x3F91];
	_ =	swait.ge [sflag:s4], $0x0  }
0x19: {  	s7 =	sld [smem:$0x3F92]  }
0x1a: {  	s8 =	sadd.s32 $0xFFFFE003, lr  }
0x1b: {  	s9 =	sadd.s32 $0xFFFFFEF7, lr;
	s5 =	simm.s32 $0xFFFFFFFF;
	p2 =	slt.u32 s8, $0xFFFFF086  }
0x1c: {  	p1 =	slt.u32 s9, $0xF7A;
	s5 =	simm.s32 @!p2 $0x0  }
0x1d: {  	s5 =	simm.s32 @p1 $0x1;
	p0 =	seq.s32 s7, s2  }
0x1e: {  	s7 =	smul.u32 @!p0 $0xF7A, s2;
	p2 =	seq.s32 @!p0 s5, $0x0  }
0x1f: {  	s9 =	smul.u32 $0xF7A, s1;
	s8 =	simm.s32 @!p0 $0x1BF5;
	p2 =	por !p2, p0  }
0x20: {  	[sflag:s8] =	ssyncset.s32 @!p0 $0xFFFFF086;
	s6 =	sadd.s32 @!p0 s3, s7;
	s7 =	simm.s32 @!p0 $0x108  }
0x21: {  	s3 =	sadd.s32 s3, s9;
	s6 =	sadd.s32 @!p0 $0x88, s6;
	s7 =	simm.s32 @p2 $0x1082  }
0x22: {  	[simem:s7], [sflag:s8] =	dma.local @!p0 [hbm:s6], $0xF7A  }
0x23: {  	s9 =	sor.u32 $0xD0000000, s2;
	s6 =	simm.s32 $0x108;
	_ =	swait.ge @!p0 [sflag:s8], $0x0  }
0x24: {  	s3 =	sadd.s32 $0x88, s3;
	s6 =	simm.s32 @!p1 $0x1082;
	[sflag:s4] =	ssyncset.s32 $0xFFFFF086  }
0x25: {  	[simem:s6], [sflag:s4] =	dma.local [hbm:s3], $0xF7A  }
0x26: {  	[smem:$0x3F92] =	sst s1;
	(tag) =	ssettag s2;
	_ =	strace s9  }
0x27: {  	s1 =	sld [smem:$0x3FA2]  }
0x28: {  	s2 =	sld [smem:$0x3FA3]  }
0x29: {  	s4 =	sld [smem:$0x3FA5]  }
0x2a: {  	p0 =	seq.s32 s5, $0x0;
	s5 =	sld [smem:$0x3FA6]  }
0x2b: {  	s6 =	sld [smem:$0x3FA7]  }
0x2c: {  	s7 =	sld [smem:$0x3FA8]  }
0x2d: {  	s3 =	simm.s32 $0x108;
	s8 =	sld [smem:$0x3FA9]  }
0x2e: {  	s3 =	simm.s32 @!p0 $0x1082;
	s9 =	sld [smem:$0x3FAA]  }
0x2f: {  	lr =	sadd.s32 s0, s3;
	s0 =	sld [smem:$0x3FA1]  }
0x30: {  	s3 =	sld [smem:$0x3FA4]  }
0x31: {  	[smem:$0x3FAD] =	sst s10  }
0x32: {  	s10 =	sld [smem:$0x3FAB];
	_ =	sdelay $0x3  }
0x33: {  	p0 =	seq.s32 s10, $0x1;
	s10 =	sld [smem:$0x3FAD];
	_ =	sdelay $0x3  }
0x34: {  	[smem:$0x3FAD] =	sst s10  }
0x35: {  	s10 =	sld [smem:$0x3FAC];
	_ =	sdelay $0x3  }
0x36: {  	p1 =	seq.s32 s10, $0x1;
	s10 =	sld [smem:$0x3FAD];
	_ =	sdelay $0x3  }
0x37: {  	[smem:$0x3FAD] =	sst s10  }
0x38: {  	s10 =	sld [smem:$0x3FAE]  }
0x39: {  	_ = 	snop;
	(pc) =	sbr.ind lr, $3  }
0x3a: {  	_ = 	snop  }
0x3b: {  	_ = 	snop  }
0x3c: {  	p2 =	seq.s32 s10, $0x1;
	s10 =	sld [smem:$0x3FAD]  }
0x3d: {  	_ =	shalt  }
0x3e: {  	_ =	shalt  }
0x3f: {  	_ =	shalt  }
0x40: {  	_ =	shalt  }
0x41: {  	_ =	shalt  }
0x42: {  	_ =	shalt  }
0x43: {  	_ =	shalt  }
0x44: {  	_ =	shalt  }
0x45: {  	_ =	shalt  }
0x46: {  	_ =	shalt  }
0x47: {  	_ =	shalt  }
0x48: {  	_ =	shalt  }
0x49: {  	_ =	shalt  }
0x4a: {  	_ =	shalt  }
0x4b: {  	_ =	shalt  }
0x4c: {  	_ =	shalt  }
0x4d: {  	_ =	shalt  }
0x4e: {  	_ =	shalt  }
0x4f: {  	_ =	shalt  }
0x50: {  	_ =	shalt  }
0x51: {  	_ =	shalt  }
0x52: {  	_ =	shalt  }
0x53: {  	_ =	shalt  }
0x54: {  	_ =	shalt  }
0x55: {  	_ =	shalt  }
0x56: {  	_ =	shalt  }
0x57: {  	_ =	shalt  }
0x58: {  	_ =	shalt  }
0x59: {  	_ =	shalt  }
0x5a: {  	_ =	shalt  }
0x5b: {  	_ =	shalt  }
0x5c: {  	_ =	shalt  }
0x5d: {  	_ =	shalt  }
0x5e: {  	_ =	shalt  }
0x5f: {  	_ =	shalt  }
0x60: {  	_ =	shalt  }
0x61: {  	_ =	shalt  }
0x62: {  	_ =	shalt  }
0x63: {  	_ =	shalt  }
0x64: {  	_ =	shalt  }
0x65: {  	_ =	shalt  }
0x66: {  	_ =	shalt  }
0x67: {  	_ =	shalt  }
0x68: {  	_ =	shalt  }
0x69: {  	_ =	shalt  }
0x6a: {  	_ =	shalt  }
0x6b: {  	_ =	shalt  }
0x6c: {  	_ =	shalt  }
0x6d: {  	_ =	shalt  }
0x6e: {  	_ =	shalt  }
0x6f: {  	_ =	shalt  }
0x70: {  	_ =	shalt  }
0x71: {  	_ =	shalt  }
0x72: {  	_ =	shalt  }
0x73: {  	_ =	shalt  }
0x74: {  	_ =	shalt  }
0x75: {  	_ =	shalt  }
0x76: {  	_ =	shalt  }
0x77: {  	_ =	shalt  }
0x78: {  	_ =	shalt  }
0x79: {  	_ =	shalt  }
0x7a: {  	_ =	shalt  }
0x7b: {  	_ =	shalt  }
0x7c: {  	_ =	shalt  }
0x7d: {  	_ =	shalt  }
0x7e: {  	_ =	shalt  }
0x7f: {  	_ =	shalt  }
0x80: {  	_ =	shalt  }
0x81: {  	_ =	shalt  }
0x82: {  	_ =	shalt  }
0x83: {  	_ =	shalt  }
0x84: {  	_ =	shalt  }
0x85: {  	_ =	shalt  }
0x86: {  	_ =	shalt  }
0x87: {  	_ =	shalt  }
.Lfunc_end0:
.L_simem_size_0:
called_computation_lowered:
.L_overlay_start_0:
0x88: {  	s2 =	sld [smem:$0x3FD9]  }
0x89: {  	s3 =	sld [smem:$0x3FFE];
	_ =	sdelay $0x1  }
0x8a: {  	s1 =	srdreg.scid  }
0x8b: {  	s0 =	sand.u32 $0x1, s1  }
0x8c: {  	s17 =	sshll.u32 s0, $0xA;
	s2 =	sadd.s32 s3, s2  }
0x8d: {  	s2 =	sadd.s32 s2, s17  }
0x8e: {  	[smem:$0x3FB9] =	sst s2  }
0x8f: {  	_ = 	snop  }
0x90: {  	s2 =	sld [smem:$0x3FC9]  }
0x91: {  	s18 =	sld [smem:$0x3FD0];
	(tm) =	ssettm $0x1  }
0x92: {  	s4 =	sld [smem:$0x3FFB];
	_ =	sdelay $0x3  }
0x93: {  	_ =	strace s4  }
0x94: {  	s4 =	sld [smem:$0x3FFC];
	_ =	sdelay $0x3  }
0x95: {  	_ =	strace s4  }
0x96: {  	s4 =	sld [smem:$0x3FFD];
	_ =	sdelay $0x3  }
0x97: {  	_ =	strace s4  }
0x98: {  	_ =	strace $0x8FFFFFFF  }
0x99: {  	s19 =	sld [smem:$0x3FDB];
	_ =	sdelay $0x1  }
0x9a: {  	s5 =	simm.s32 $_scs_section_size  }
0x9b: {  	s6 =	simm.s32 $_size__tile_overlayer_lowered;
	s7 =	simm.s32 $_tile_overlayer_lowered  }
0x9c: {  	s22 =	simm.s32 $0x1BFF;
	s21 =	sshll.u32 s7, $0x1;
	s4 =	sadd.s32 s5, s19  }
0x9d: {  	s8 =	simm.s32 $0x0;
	s20 =	sshll.u32 s6, $0x1;
	s6 =	sadd.s32 s21, s4  }
0x9e: {  	[timem:s8], [sflag:s22] =	dma.local [hbm:s6], s20  }
0x9f: {  	_ =	swait.ge [sflag:s22], s20  }
0xa0: {  	s5 =	ssub.s32 $0x0, s20;
	[sflag:s22] =	ssyncset.done $0x0  }
0xa1: {  	[sflag:s22] =	ssyncadd.s32 s5;
	_ =	sdelay $0x1  }
0xa2: {  	s23 =	simm.s32 $0x1B8B  }
0xa3: {  	_ =	swait.ge [sflag:s23], $0x1  }
0xa4: {  	[sflag:s23] =	ssyncset.done $0x0  }
0xa5: {  	s25 =	simm.s32 $0x1B8E;
	s24 =	sld [smem:$0x3FFE];
	[sflag:s23] =	ssyncadd.s32 $0xFFFFFFFF  }
0xa6: {  	s26 =	simm.s32 $execute0_lowered;
	[smem:$0x3FD2] =	sst s25  }
0xa7: {  	s6 =	sshll.u32 s26, $0x1;
	_ =	strace $0x80000046;
	[dreg:$0x1] =	wrdreg $0xFFFFFFFF  }
0xa8: {  	s28 =	simm.s32 $_size_execute0_lowered;
	s4 =	sadd.s32 s4, s6;
	[dreg:$0x0] =	wrdreg $0x0  }
0xa9: {  	s6 =	sshll.u32 s28, $0x1;
	[dreg:$0x2] =	wrdreg s4  }
0xaa: {  	[dreg:$0x3] =	wrdreg s6  }
0xab: {  	[dreg:$0x4] =	wrdreg $0xC0  }
0xac: {  	_ =	task [dreg:s8], $0x5FFFF  }
0xad: {  	[dreg:$0x1] =	wrdreg $0xFFFFFFFF  }
0xae: {  	[dreg:$0x0] =	wrdreg $0x60  }
0xaf: {  	[dreg:$0x2] =	wrdreg s2  }
0xb0: {  	[dreg:$0x3] =	wrdreg s18  }
0xb1: {  	[dreg:$0x4] =	wrdreg s24  }
0xb2: {  	[dreg:$0x5] =	wrdreg $0xB0000  }
0xb3: {  	[dreg:$0x6] =	wrdreg $0x9  }
0xb4: {  	_ =	task.clear_ibuf [dreg:s8], $0x7FFFF;
	_ =	strace $0x90000046  }
0xb5: {  	s29 =	simm.s32 $0x9;
	_ =	strace $0x80000048  }
0xb6: {  	_ =	swait.ge [sflag:s29], $0x1  }
0xb7: {  	[sflag:s29] =	ssyncadd.s32 $0xFFFFFFFF  }
0xb8: {  	_ =	strace $0x90000048  }
0xb9: {  	_ =	sfence  }
0xba: {  	s30 =	sld [smem:$0x0];
	_ =	sdelay $0x2  }
0xbb: {  	s31 =	sshll.u32 s1, $0xD;
	s1 =	sshrl.u32 s1, $0x2  }
0xbc: {  	s3 =	sand.u32 $0x4000, s31;
	s1 =	sadd.s32 s1, s30  }
0xbd: {  	s0 =	sor.u32 s3, s0;
	s1 =	sshll.u32 s1, $0x11  }
0xbe: {  	s0 =	sor.u32 s1, s0  }
0xbf: {  	s0 =	sadd.s32 $0x8F2B, s0  }
0xc0: {  	[sflag:s0] =	ssyncadd.remote.s32 $0x1  }
0xc1: {  	_ =	sfence.sel $0xFFFF  }
0xc2: {  	[dreg:$0x0] =	wrdreg $0xFFFFFFFF;
	(pc) =	sbr.abs _section_cstart, $3  }
0xc3: {  	[dreg:$0x1] =	wrdreg $0xFFFFFFFF  }
0xc4: {  	_ =	task.clear_ibuf [dreg:s8], $0x2FFFF;
	_ =	strace $0x9FFFFFFF  }
0xc5: {  	(tm) =	ssettm $0x7FFFFFFF  }
tec
execute0_lowered:
.L_overlay_start_1:
0x0: {  	(tag) =	ssettag $0x1  }
0x1: {  	s0 =	rddreg [dreg:$0x0]  }
0x2: {  	s2 =	rddreg [dreg:$0x1]  }
0x3: {  	s1 =	srdreg.scid;
	s5 =	rddreg [dreg:$0x2]  }
0x4: {  	s25 =	stileid.u32;
	s3 =	rddreg [dreg:$0x3]  }
0x5: {  	s12 =	simm.s32 $0x17;
	s16 =	simm.s32 $0x3000;
	s17 =	simm.s32 $0x5  }
0x6: {  	s18 =	simm.s32 $0x1800;
	s19 =	simm.s32 $0x80;
	s20 =	simm.s32 $0x1  }
0x7: {  	s21 =	simm.s32 $0x7000;
	s22 =	simm.s32 $0x2;
	s23 =	simm.s32 $0x1880  }
0x8: {  	s28 =	simm.s32 $0x4;
	s1 =	sand.u32 $0x1, s1;
	s24 =	smul.u32 $0x4F000, s25  }
0x9: {  	s4 =	sshll.u32 s1, $0x4;
	s7 =	smul.u32 $0x27100, s1;
	s8 =	ssub.s32 $0x2, s1  }
0xa: {  	p0 =	seq.s32 s1, $0x0;
	s1 =	smul.u32 $0x2780, s25;
	s6 =	sor.u32 s25, s4  }
0xb: {  	s4 =	simm.s32 $0x0;
	s26 =	sshrl.u32 s8, $0x1;
	s12 =	simm.s32 @!p0 $0x8  }
0xc: {  	p0 =	sne.s32 s25, $0xF;
	s10 =	smul.u32 $0x600, s6;
	[smem:$0x7FF] =	sst s4  }
0xd: {  	s6 =	sshrl.u32 s24, $0x2;
	s13 =	sadd.s32 s7, s5;
	s14 =	ssub.s32 s8, s26  }
0xe: {  	s15 =	sadd.s32 $0xFFFFFFFF, s12;
	s24 =	simm.s32 $0x3;
	s26 =	simm.s32 $0x100  }
0xf: {  	_ =	strace $0x80000047;
	s11 =	sadd.s32 s10, s5;
	s5 =	sadd.s32 s6, s3  }
0x10: {  	s13 =	sadd.s32 $0xD800, s13;
	s14 =	smax.u32 s14, $0x1;
	s29 =	sadd.s32 $0x4000, s5  }
0x11: {  	s10 =	sadd.s32 s2, s10;
	s30 =	sadd.s32 $0x8000, s5;
	[dreg:$0x5] =	wrdreg s29  }
0x12: {  	s25 =	sadd.s32 @p0 s1, s13;
	s31 =	sadd.s32 $0xC000, s5;
	[dreg:$0x6] =	wrdreg s30  }
0x13: {  	v0 =	vimm.f32 $0.0e+00;
	s9 =	sadd.s32 $0x10000, s5;
	s11 =	sadd.s32 $0x1800, s11;
	[dreg:$0x7] =	wrdreg s31  }
.LBB2_1:
0x14: {  	s29 =	simm.s32 $0x0;
	s30 =	simm.s32 $0x200  }
.LBB2_2:
0x15: {  	p1 =	sne.s32 s30, $0xFE00;
	[tilespmem:s29+$0x3070] =	vst v0  }
0x16: {  	[tilespmem:s29+$0x3000] =	vst v0  }
0x17: {  	[tilespmem:s29+$0x3010] =	vst v0  }
.Ltmp0:
0x18: {  	[tilespmem:s29+$0x3020] =	vst v0;
	(pc) =	sbr.rel @p1 .LBB2_2-.Ltmp0, $4  }
0x19: {  	[tilespmem:s29+$0x3030] =	vst v0  }
0x1a: {  	[tilespmem:s29+$0x3040] =	vst v0  }
0x1b: {  	[tilespmem:s29+$0x3050] =	vst v0  }
0x1c: {  	[tilespmem:s29+$0x3060] =	vst v0;
	s29 =	sshra.s32 s30, $0x2;
	s30 =	sadd.s32 $0x200, s30  }
0x1d: {  	[tilespmem:s29+$0x3070] =	vst v0  }
0x1e: {  	[tilespmem:s29+$0x3000] =	vst v0  }
0x1f: {  	[tilespmem:s29+$0x3010] =	vst v0  }
0x20: {  	[tilespmem:s29+$0x3020] =	vst v0  }
0x21: {  	[tilespmem:s29+$0x3030] =	vst v0  }
0x22: {  	[tilespmem:s29+$0x3040] =	vst v0  }
0x23: {  	[tilespmem:s29+$0x3050] =	vst v0  }
0x24: {  	[tilespmem:s29+$0x3060] =	vst v0  }
0x25: {  	[spmem:s5] =	stream.linear.scatter [tilespmem:s16], [sflag:$0x5], $0x4000, $0x38;
	[tilespmem:$0x1EC00] =	vst v63  }
0x26: {  	_ =	swait.ge [sflag:s17], $0x4000  }
0x27: {  	[sflag:s17] =	ssyncset.done $0x0  }
0x28: {  	s1 =	rddreg [dreg:$0x5];
	[sflag:s17] =	ssyncadd.s32 $0xFFFFC000  }
0x29: {  	[spmem:s1] =	stream.linear.scatter [tilespmem:s16], [sflag:$0x5], $0x4000, $0x38;
	[tilespmem:$0x1EC00] =	vst v63  }
0x2a: {  	_ =	swait.ge [sflag:s17], $0x4000  }
0x2b: {  	[sflag:s17] =	ssyncset.done $0x0  }
0x2c: {  	s30 =	rddreg [dreg:$0x6];
	[sflag:s17] =	ssyncadd.s32 $0xFFFFC000  }
0x2d: {  	[spmem:s30] =	stream.linear.scatter [tilespmem:s16], [sflag:$0x5], $0x4000, $0x38;
	[tilespmem:$0x1EC00] =	vst v63  }
0x2e: {  	_ =	swait.ge [sflag:s17], $0x4000  }
0x2f: {  	[sflag:s17] =	ssyncset.done $0x0  }
0x30: {  	s31 =	rddreg [dreg:$0x7];
	[sflag:s17] =	ssyncadd.s32 $0xFFFFC000  }
0x31: {  	[spmem:s31] =	stream.linear.scatter [tilespmem:s16], [sflag:$0x5], $0x4000, $0x38;
	[tilespmem:$0x1EC00] =	vst v63  }
0x32: {  	_ =	swait.ge [sflag:s17], $0x4000  }
0x33: {  	[sflag:s17] =	ssyncset.done $0x0  }
0x34: {  	[sflag:s17] =	ssyncadd.s32 $0xFFFFC000  }
0x35: {  	[spmem:s9] =	stream.linear.scatter [tilespmem:s16], [sflag:$0x5], $0x3C00, $0x38;
	[tilespmem:$0x1EC00] =	vst v63  }
0x36: {  	_ =	swait.ge [sflag:s17], $0x3C00  }
0x37: {  	[sflag:s17] =	ssyncset.done $0x0  }
0x38: {  	[sflag:s17] =	ssyncadd.s32 $0xFFFFC400  }
0x39: {  	s29 =	simm.s32 $0x0;
	[bflag:$0x0] =	sbarrier.arrive $0xFFFF  }
0x3a: {  	[tilespmem:s29], [sflag:$0x5] =	stream.linear.gather [hbm4b:s10+s29], $0x1800, $0x38;
	[tilespmem:$0x1EC00] =	vst v63  }
0x3b: {  	_ =	swait.ge [sflag:s17], $0x1800  }
0x3c: {  	[sflag:s17] =	ssyncset.done $0x0  }
0x3d: {  	[sflag:s17] =	ssyncadd.s32 $0xFFFFE800  }
0x3e: {  	[tilespmem:s18], [sflag:$0x5] =	stream.linear.gather [hbm4b:s11+s29], $0x1800, $0x38;
	[tilespmem:$0x1EC00] =	vst v63  }
0x3f: {  	_ =	swait.ge [sflag:s17], $0x1800  }
0x40: {  	[sflag:s17] =	ssyncset.done $0x0  }
0x41: {  	[sflag:s17] =	ssyncadd.s32 $0xFFFFE800  }
0x42: {  	[tilespmem:s16], [sflag:$0x1] =	stream.indirect.gather [hbm4b:s0+s19], $0x80, s29, s19, $0xb8;
	[tilespmem:$0x1EC00] =	vst v63  }
0x43: {  	_ =	swait.ge [sflag:s20], $0x4000  }
0x44: {  	[sflag:s20] =	ssyncset.done $0x0  }
0x45: {  	[sflag:s20] =	ssyncadd.s32 $0xFFFFC000  }
0x46: {  	[spmem:s3] =	stream.indirect.scatter.add.f32 [tilespmem:s16], [sflag:$0x3], $0x80, s18, s19, $0xb8;
	[tilespmem:$0x1EC00] =	vst v63  }
0x47: {  	_ = 	snop  }
0x48: {  	[tilespmem:s21], [sflag:$0x2] =	stream.indirect.gather [hbm4b:s0+s19], $0x80, s19, s19, $0xb8;
	[tilespmem:$0x1EC00] =	vst v63  }
0x49: {  	_ =	swait.ge [sflag:s22], $0x4000  }
0x4a: {  	[sflag:s22] =	ssyncset.done $0x0  }
0x4b: {  	[sflag:s22] =	ssyncadd.s32 $0xFFFFC000  }
0x4c: {  	[spmem:s3] =	stream.indirect.scatter.add.f32 [tilespmem:s21], [sflag:$0x4], $0x80, s23, s19, $0xb8;
	[tilespmem:$0x1EC00] =	vst v63  }
0x4d: {  	_ =	swait.ge [sflag:s24], $0x4000  }
0x4e: {  	[sflag:s24] =	ssyncset.done $0x0  }
0x4f: {  	[sflag:s24] =	ssyncadd.s32 $0xFFFFC000  }
0x50: {  	[tilespmem:s16], [sflag:$0x1] =	stream.indirect.gather [hbm4b:s0+s19], $0x80, s26, s19, $0xb8;
	[tilespmem:$0x1EC00] =	vst v63  }
.LBB2_4:
0x51: {  	_ =	swait.ge [sflag:s20], $0x4000  }
0x52: {  	s1 =	sshra.s32 s29, $0x2;
	[sflag:s20] =	ssyncset.done $0x0  }
0x53: {  	s2 =	sadd.s32 $0x1900, s1;
	[sflag:s20] =	ssyncadd.s32 $0xFFFFC000  }
0x54: {  	[spmem:s3] =	stream.indirect.scatter.add.f32 [tilespmem:s16], [sflag:$0x3], $0x80, s2, s19, $0xb8;
	[tilespmem:$0x1EC00] =	vst v63  }
0x55: {  	_ =	swait.ge [sflag:s28], $0x4000  }
0x56: {  	[sflag:s28] =	ssyncset.done $0x0  }
0x57: {  	s31 =	sadd.s32 $0x180, s1;
	[sflag:s28] =	ssyncadd.s32 $0xFFFFC000  }
0x58: {  	[tilespmem:s21], [sflag:$0x2] =	stream.indirect.gather [hbm4b:s0+s19], $0x80, s31, s19, $0xb8;
	[tilespmem:$0x1EC00] =	vst v63  }
0x59: {  	_ =	swait.ge [sflag:s22], $0x4000  }
0x5a: {  	[sflag:s22] =	ssyncset.done $0x0  }
0x5b: {  	p1 =	seq.s32 s29, $0x5800;
	s1 =	sadd.s32 $0x1980, s1;
	[sflag:s22] =	ssyncadd.s32 $0xFFFFC000  }
0x5c: {  	[spmem:s3] =	stream.indirect.scatter.add.f32 [tilespmem:s21], [sflag:$0x4], $0x80, s1, s19, $0xb8;
	[tilespmem:$0x1EC00] =	vst v63  }
0x5d: {  	s30 =	simm.s32 @!p1 $0x3000;
	s2 =	simm.s32 @!p1 $0x80;
	_ =	swait.ge [sflag:s24], $0x4000  }
0x5e: {  	s1 =	sshra.s32 @!p1 s29, $0x2;
	s29 =	sadd.s32 @!p1 $0x400, s29;
	[sflag:s24] =	ssyncset.done $0x0  }
0x5f: {  	s1 =	sadd.s32 @!p1 $0x200, s1;
	p2 =	sne.s32 @!p1 s29, $0x5C00;
	[sflag:s24] =	ssyncadd.s32 $0xFFFFC000  }
0x60: {  	[tilespmem:s30], [sflag:$0x1] =	stream.indirect.gather @!p1 [hbm4b:s0+s2], $0x80, s1, s2, $0xb8;
	[tilespmem:$0x1EC00] =	vst v63  }
0x61: {  	p1 =	por p1, !p2  }
.Ltmp1:
0x62: {  	_ = 	snop;
	(pc) =	sbr.rel @!p1 .LBB2_4-.Ltmp1, $1  }
0x63: {  	_ =	sdelay $0x3  }
0x64: {  	_ =	swait.ge [sflag:s28], $0x4000  }
0x65: {  	[sflag:s28] =	ssyncset.done $0x0  }
0x66: {  	s1 =	sadd.s32 $0x300, s10;
	s2 =	simm.s32 $0x0;
	[sflag:s28] =	ssyncadd.s32 $0xFFFFC000  }
0x67: {  	[tilespmem:s2], [sflag:$0x5] =	stream.linear.gather [hbm4b:s1+s2], $0x1800, $0x38;
	[tilespmem:$0x1EC00] =	vst v63  }
0x68: {  	_ =	swait.ge [sflag:s17], $0x1800  }
0x69: {  	[sflag:s17] =	ssyncset.done $0x0  }
0x6a: {  	s8 =	sadd.s32 $0x300, s11;
	[sflag:s17] =	ssyncadd.s32 $0xFFFFE800  }
0x6b: {  	[tilespmem:s18], [sflag:$0x5] =	stream.linear.gather [hbm4b:s8+s2], $0x1800, $0x38;
	[tilespmem:$0x1EC00] =	vst v63  }
0x6c: {  	_ =	swait.ge [sflag:s17], $0x1800  }
0x6d: {  	[sflag:s17] =	ssyncset.done $0x0  }
0x6e: {  	[sflag:s17] =	ssyncadd.s32 $0xFFFFE800  }
0x6f: {  	[tilespmem:s16], [sflag:$0x1] =	stream.indirect.gather [hbm4b:s0+s19], $0x80, s2, s19, $0xb8;
	[tilespmem:$0x1EC00] =	vst v63  }
0x70: {  	_ =	swait.ge [sflag:s20], $0x4000  }
0x71: {  	[sflag:s20] =	ssyncset.done $0x0  }
0x72: {  	[sflag:s20] =	ssyncadd.s32 $0xFFFFC000  }
0x73: {  	[spmem:s3] =	stream.indirect.scatter.add.f32 [tilespmem:s16], [sflag:$0x3], $0x80, s18, s19, $0xb8;
	[tilespmem:$0x1EC00] =	vst v63  }
0x74: {  	_ = 	snop  }
0x75: {  	[tilespmem:s21], [sflag:$0x2] =	stream.indirect.gather [hbm4b:s0+s19], $0x80, s19, s19, $0xb8;
	[tilespmem:$0x1EC00] =	vst v63  }
0x76: {  	_ =	swait.ge [sflag:s22], $0x4000  }
0x77: {  	[sflag:s22] =	ssyncset.done $0x0  }
0x78: {  	[sflag:s22] =	ssyncadd.s32 $0xFFFFC000  }
0x79: {  	[spmem:s3] =	stream.indirect.scatter.add.f32 [tilespmem:s21], [sflag:$0x4], $0x80, s23, s19, $0xb8;
	[tilespmem:$0x1EC00] =	vst v63  }
0x7a: {  	_ =	swait.ge [sflag:s24], $0x4000  }
0x7b: {  	[sflag:s24] =	ssyncset.done $0x0  }
0x7c: {  	[sflag:s24] =	ssyncadd.s32 $0xFFFFC000  }
0x7d: {  	[tilespmem:s16], [sflag:$0x1] =	stream.indirect.gather [hbm4b:s0+s19], $0x80, s26, s19, $0xb8;
	[tilespmem:$0x1EC00] =	vst v63  }
0x7e: {  	_ =	swait.ge [sflag:s20], $0x4000  }
0x7f: {  	[sflag:s20] =	ssyncset.done $0x0  }
0x80: {  	s6 =	simm.s32 $0x1900;
	[sflag:s20] =	ssyncadd.s32 $0xFFFFC000  }
0x81: {  	[spmem:s3] =	stream.indirect.scatter.add.f32 [tilespmem:s16], [sflag:$0x3], $0x80, s6, s19, $0xb8;
	[tilespmem:$0x1EC00] =	vst v63  }
0x82: {  	_ =	swait.ge [sflag:s28], $0x4000  }
0x83: {  	[sflag:s28] =	ssyncset.done $0x0  }
0x84: {  	s7 =	simm.s32 $0x180;
	[sflag:s28] =	ssyncadd.s32 $0xFFFFC000  }
0x85: {  	[tilespmem:s21], [sflag:$0x2] =	stream.indirect.gather [hbm4b:s0+s19], $0x80, s7, s19, $0xb8;
	[tilespmem:$0x1EC00] =	vst v63  }
0x86: {  	p1 =	sne.s32 s15, $0x1;
	_ =	swait.ge [sflag:s22], $0x4000  }
.Ltmp2:
0x87: {  	s29 =	simm.s32 $0x1;
	[sflag:s22] =	ssyncset.done $0x0;
	(pc) =	sbr.rel @!p1 .LBB2_7-.Ltmp2, $4  }
0x88: {  	s30 =	simm.s32 $0x280;
	s8 =	simm.s32 $0x1980;
	[sflag:s22] =	ssyncadd.s32 $0xFFFFC000  }
0x89: {  	[spmem:s3] =	stream.indirect.scatter.add.f32 [tilespmem:s21], [sflag:$0x4], $0x80, s8, s19, $0xb8;
	[tilespmem:$0x1EC00] =	vst v63  }
0x8a: {  	p2 =	sle.u32 s12, $0x2;
	s31 =	simm.s32 $0x1A80;
	_ =	swait.ge [sflag:s24], $0x4000  }
0x8b: {  	s1 =	simm.s32 @!p2 $0x80;
	s2 =	simm.s32 @!p2 $0x200;
	[sflag:s24] =	ssyncset.done $0x0  }
.LBB2_6:
0x8c: {  	[sflag:s24] =	ssyncadd.s32 $0xFFFFC000;
	s6 =	simm.s32 @!p2 $0x3000  }
0x8d: {  	s7 =	smov.u32 s29;
	s29 =	sadd.s32 $0x1, s29;
	s8 =	smov.u32 s30  }
0x8e: {  	[tilespmem:s6], [sflag:$0x1] =	stream.indirect.gather @!p2 [hbm4b:s0+s1], $0x80, s2, s1, $0xb8;
	[tilespmem:$0x1EC00] =	vst v63  }
0x8f: {  	p1 =	sne.s32 s15, s29;
	_ =	swait.ge [sflag:s20], $0x4000  }
0x90: {  	s1 =	sadd.s32 $0xFFFFFF80, s31;
	[sflag:s20] =	ssyncset.done $0x0  }
0x91: {  	[sflag:s20] =	ssyncadd.s32 $0xFFFFC000  }
0x92: {  	[spmem:s3] =	stream.indirect.scatter.add.f32 [tilespmem:s16], [sflag:$0x3], $0x80, s1, s19, $0xb8;
	[tilespmem:$0x1EC00] =	vst v63  }
0x93: {  	_ =	swait.ge [sflag:s28], $0x4000  }
0x94: {  	[sflag:s28] =	ssyncset.done $0x0  }
0x95: {  	[sflag:s28] =	ssyncadd.s32 $0xFFFFC000  }
0x96: {  	[tilespmem:s21], [sflag:$0x2] =	stream.indirect.gather [hbm4b:s0+s19], $0x80, s30, s19, $0xb8;
	[tilespmem:$0x1EC00] =	vst v63  }
0x97: {  	_ =	swait.ge [sflag:s22], $0x4000  }
.Ltmp3:
0x98: {  	[sflag:s22] =	ssyncset.done $0x0;
	(pc) =	sbr.rel @p1 .LBB2_6-.Ltmp3, $4  }
0x99: {  	s1 =	sadd.s32 $0x2, s7;
	s30 =	sadd.s32 $0x100, s30;
	[sflag:s22] =	ssyncadd.s32 $0xFFFFC000  }
0x9a: {  	[spmem:s3] =	stream.indirect.scatter.add.f32 [tilespmem:s21], [sflag:$0x4], $0x80, s31, s19, $0xb8;
	[tilespmem:$0x1EC00] =	vst v63  }
0x9b: {  	p2 =	sge.u32 s1, s12;
	s31 =	sadd.s32 $0x100, s31;
	_ =	swait.ge [sflag:s24], $0x4000  }
0x9c: {  	s2 =	sadd.s32 @!p2 $0x80, s8;
	s1 =	simm.s32 @!p2 $0x80;
	[sflag:s24] =	ssyncset.done $0x0  }
.LBB2_7:
0x9d: {  	[sflag:s24] =	ssyncadd.s32 $0xFFFFC000;
	s6 =	simm.s32 @!p2 $0x3000  }
0x9e: {  	[tilespmem:s6], [sflag:$0x1] =	stream.indirect.gather @!p2 [hbm4b:s0+s1], $0x80, s2, s1, $0xb8;
	[tilespmem:$0x1EC00] =	vst v63  }
0x9f: {  	_ =	swait.ge [sflag:s28], $0x4000  }
0xa0: {  	s1 =	stileid.u32;
	[sflag:s28] =	ssyncset.done $0x0  }
0xa1: {  	s1 =	sshll.u32 @p0 s1, $0x6;
	[sflag:s28] =	ssyncadd.s32 $0xFFFFC000  }
0xa2: {  	s2 =	sshrl.u32 @p0 s5, $0x3;
	s1 =	sor.u32 @p0 $0x1C05, s1;
	[bflag:$0x0] =	sbarrier.arrive $0xFFFF  }
0xa3: {  	[hbm:s25], [sflag:s1] =	dma.local @p0 [spmem:s2], $0x2780  }
0xa4: {  	s1 =	simm.s32 @p0 $0x5  }
0xa5: {  	s4 =	sadd.s32 $0x1, s4;
	_ =	swait.ge @p0 [sflag:s1], $0x2780  }
0xa6: {  	s6 =	simm.s32 @!p0 $0x1FC5;
	p1 =	sne.s32 s4, s14;
	[sflag:s1] =	ssyncset.done @p0 $0x0  }
0xa7: {  	s2 =	sshrl.u32 @!p0 s5, $0x3;
	[sflag:s1] =	ssyncadd.s32 @p0 $0xFFFFD880;
	s1 =	sadd.s32 @!p0 $0x25080, s13  }
0xa8: {  	[hbm:s1], [sflag:s6] =	dma.local @!p0 [spmem:s2], $0x2080  }
.Ltmp4:
0xa9: {  	_ = 	snop;
	(pc) =	sbr.rel @p1 .LBB2_1-.Ltmp4, $4  }
0xaa: {  	s1 =	simm.s32 @!p0 $0x5  }
0xab: {  	_ =	swait.ge @!p0 [sflag:s1], $0x2080  }
0xac: {  	[sflag:s1] =	ssyncset.done @!p0 $0x0  }
0xad: {  	[sflag:s1] =	ssyncadd.s32 @!p0 $0xFFFFDF80  }
0xae: {  	_ =	sfence.sel $0x180000  }
0xaf: {  	[bflag:$0x0] =	sbarrier.arrive $0xFFFF  }
0xb0: {  	_ =	strace $0x90000047  }
0xb1: {  	s0 =	stileid.u32;
	[bflag:$0x2] =	sbarrier.arrive $0xFFFF  }
0xb2: {  	p0 =	sne.s32 s0, $0x0;
	s0 =	rddreg [dreg:$0x4]  }
0xb3: {  	s0 =	sadd.s32 @!p0 $0x100000, s0  }
0xb4: {  	[sflag:s0] =	ssyncadd.tile.s32 @!p0 $0x1;
	_ =	shalt  }
.Lfunc_end2:
_tile_overlayer_lowered:
.L_overlay_start_2:
0xb5: {  	(tag) =	ssettag $0x2  }
0xb6: {  	s0 =	rddreg [dreg:$0x0];
	s2 =	stileid.u32  }
0xb7: {  	s1 =	rddreg [dreg:$0x1];
	p0 =	sne.s32 s2, $0x0  }
0xb8: {  	s3 =	rddreg [dreg:$0x2];
	[bflag:$0x3] =	sbarrier.arrive $0xFFFF;
	s2 =	simm.s32 @!p0 $0x1C05  }
0xb9: {  	[timem:s3], [sflag:s2] =	dma.local @!p0 [hbm:s0], s1  }
0xba: {  	s0 =	simm.s32 @!p0 $0x5  }
0xbb: {  	_ =	swait.ge @!p0 [sflag:s0], s1  }
0xbc: {  	s1 =	ssub.s32 @!p0 $0x0, s1;
	[sflag:s0] =	ssyncset.done @!p0 $0x0  }
0xbd: {  	[sflag:s0] =	ssyncadd.s32 @!p0 s1  }
0xbe: {  	[bflag:$0x3] =	sbarrier.arrive $0xFFFF  }
0xbf: {  	_ =	shalt  }

</sc_bundles>
